<compile_context>
chip_gen: v7x
topology: tpu7x:2x2x1
jax: 0.10.2.dev20260603
libtpu: 0.0.44.dev20260713+nightly
codegen_flags: <defaults>
</compile_context>

<pallas_src>
import functools

import jax
import jax.numpy as jnp
from jax import lax
from jax.experimental import pallas as pl
from jax.experimental.pallas import tpu as pltpu
from jax.experimental.pallas import tpu_sc as plsc

_NC = 2
_NS = 16
_LANES = 16
_NW = _NC * _NS

_NROW = 4096
_NCOL = 4096
_ROWS_W = _NROW // _NW
_CROWS = 2
_NCHUNK = _ROWS_W // _CROWS
_RB = 4
_NTURN = _NCHUNK // _RB


def _compute_chunk(xv, ov):
    c16 = jnp.full((_LANES,), 16, jnp.int32)
    c17 = jnp.full((_LANES,), 17, jnp.int32)
    for r in range(_CROWS):
        @plsc.parallel_loop(0, _NCOL, step=_LANES, unroll=16)
        def _(j):
            x = xv[r, pl.ds(j, _LANES)]
            y = jnp.minimum(jnp.maximum(x * 4.0, -17.0), 16.0)
            i = y.astype(jnp.int32)
            f = i.astype(jnp.float32)
            b = i + jnp.where(f > y, c16, c17)
            ov[r, pl.ds(j, _LANES)] = b


@functools.partial(
    pl.kernel,
    mesh=plsc.VectorSubcoreMesh(core_axis_name="c", subcore_axis_name="s"),
    out_type=jax.ShapeDtypeStruct((_NROW, _NCOL), jnp.int32),
    scratch_types=(
        [pltpu.VMEM((_CROWS, _NCOL), jnp.float32)] * _RB
        + [pltpu.VMEM((_CROWS, _NCOL), jnp.int32)] * _RB
        + [pltpu.SemaphoreType.DMA] * (2 * _RB)
    ),
)
def _sc_bucketize(x_hbm, out_hbm, *refs):
    xv = refs[:_RB]
    ov = refs[_RB : 2 * _RB]
    si = refs[2 * _RB : 3 * _RB]
    so = refs[3 * _RB : 4 * _RB]

    wid = lax.axis_index("s") * _NC + lax.axis_index("c")
    base = wid * _ROWS_W

    for b in range(_RB):
        pltpu.async_copy(x_hbm.at[pl.ds(base + b * _CROWS, _CROWS)], xv[b], si[b])

    def turn_body(t, carry):
        row_t = base + t * _RB * _CROWS
        for b in range(_RB):
            row = row_t + b * _CROWS
            pltpu.make_async_copy(
                x_hbm.at[pl.ds(row, _CROWS)], xv[b], si[b]
            ).wait()

            @pl.when(t > 0)
            def _():
                pltpu.make_async_copy(
                    ov[b], out_hbm.at[pl.ds(row - _RB * _CROWS, _CROWS)], so[b]
                ).wait()

            _compute_chunk(xv[b], ov[b])
            pltpu.async_copy(ov[b], out_hbm.at[pl.ds(row, _CROWS)], so[b])

            @pl.when(t + 1 < _NTURN)
            def _():
                pltpu.async_copy(
                    x_hbm.at[pl.ds(row + _RB * _CROWS, _CROWS)], xv[b], si[b]
                )
        return carry

    lax.fori_loop(0, _NTURN, turn_body, 0)

    for b in range(_RB):
        row = base + _ROWS_W - (_RB - b) * _CROWS
        pltpu.make_async_copy(ov[b], out_hbm.at[pl.ds(row, _CROWS)], so[b]).wait()


def kernel(inputs):
    out = _sc_bucketize(inputs)
    return out.astype(jnp.int64)

# --- scband reference (transcript-rebuilt; emitter-appended) ---
"""Pipeline reference for scband-numeric-bucket-34772055228964 (READ-ONLY COPY).

The authoritative reference and input builder live on the scoring server;
editing this copy changes nothing except your own understanding.
"""

import jax, jax.numpy as jnp
import numpy as np

BOUNDARIES = jnp.array([-4.0, -3.75, -3.5, -3.25, -3.0, -2.75, -2.5, -2.25, -2.0, -1.75, -1.5, -1.25, -1.0, -0.75, -0.5, -0.25, 0.0, 0.25, 0.5, 0.75, 1.0, 1.25, 1.5, 1.75, 2.0, 2.25, 2.5, 2.75, 3.0, 3.25, 3.5, 3.75, 4.0], dtype=jnp.float32)


def setup_inputs(seed: int = 0) -> dict:
    key = jax.random.key(seed)
    inputs = jax.random.normal(key, (4096, 4096), dtype=jnp.float32)
    return {"inputs": inputs}


def reference(inputs):
    # NumericBucket.call: cast to float32, then bucketize against boundaries.
    # TF's math_ops._bucketize assigns x to bucket i such that
    # boundaries[i-1] <= x < boundaries[i]; values equal to a boundary go to
    # the right bucket, which is exactly searchsorted(..., side='right').
    x = inputs.astype(jnp.float32)
    bucket_id = jnp.searchsorted(BOUNDARIES, x, side='right')
    return bucket_id.astype(jnp.int64)

if __name__ == "__main__":
    import jax
    _d = setup_inputs()
    print(jax.jit(kernel)(*tuple(_d.values())))

</pallas_src>

<mosaic_0001>
#map = affine_map<(d0, d1) -> (0, 0)>
module attributes {stable_mosaic.version = 14 : i64} {
  func.func @_sc_bucketize(%arg0: i32, %arg1: i32, %arg2: memref<4096x4096xf32, #tpu.memory_space<hbm>>, %arg3: memref<4096x4096xi32, #tpu.memory_space<hbm>>, %arg4: memref<2x4096xf32, #tpu.memory_space<vmem>>, %arg5: memref<2x4096xf32, #tpu.memory_space<vmem>>, %arg6: memref<2x4096xf32, #tpu.memory_space<vmem>>, %arg7: memref<2x4096xf32, #tpu.memory_space<vmem>>, %arg8: memref<2x4096xi32, #tpu.memory_space<vmem>>, %arg9: memref<2x4096xi32, #tpu.memory_space<vmem>>, %arg10: memref<2x4096xi32, #tpu.memory_space<vmem>>, %arg11: memref<2x4096xi32, #tpu.memory_space<vmem>>, %arg12: memref<!tpu.dma_semaphore, #tpu.memory_space<semaphore_mem>>, %arg13: memref<!tpu.dma_semaphore, #tpu.memory_space<semaphore_mem>>, %arg14: memref<!tpu.dma_semaphore, #tpu.memory_space<semaphore_mem>>, %arg15: memref<!tpu.dma_semaphore, #tpu.memory_space<semaphore_mem>>, %arg16: memref<!tpu.dma_semaphore, #tpu.memory_space<semaphore_mem>>, %arg17: memref<!tpu.dma_semaphore, #tpu.memory_space<semaphore_mem>>, %arg18: memref<!tpu.dma_semaphore, #tpu.memory_space<semaphore_mem>>, %arg19: memref<!tpu.dma_semaphore, #tpu.memory_space<semaphore_mem>>) attributes {dimension_semantics = [#tpu.dimension_semantics<core_parallel>, #tpu.dimension_semantics<subcore_parallel>], iteration_bounds = array<i64: 2, 16>, scalar_prefetch = 0 : i64, scratch_operands = 16 : i64, tpu.core_type = #tpu.core_type<sc_vector_subcore>, window_params = [{transform_indices = #map}, {transform_indices = #map}]} {
    %mul3A = arith.constant 2 : i32
    %mul3A_0 = arith.muli %arg1, %mul3A : i32
    %add3A = arith.addi %mul3A_0, %arg0 : i32
    %mul3A_1 = arith.constant 128 : i32
    %mul3A_2 = arith.muli %add3A, %mul3A_1 : i32
    %add3A_3 = arith.constant 0 : i32
    %add3A_4 = arith.addi %mul3A_2, %add3A_3 : i32
    %dma_start3A = arith.constant 0 : i32
    %dma_start3A_5 = tpu.memref_slice %arg2[%add3A_4, %dma_start3A] : memref<4096x4096xf32, #tpu.memory_space<hbm>> -> memref<2x4096xf32, #tpu.memory_space<hbm>>
    %dma_start3A_6 = arith.constant 0 : i32
    %dma_start3A_7 = tpu.memref_slice %arg2[%add3A_4, %dma_start3A_6] : memref<4096x4096xf32, #tpu.memory_space<hbm>> -> memref<2x4096xf32, #tpu.memory_space<hbm>>
    tpu.enqueue_dma source(%dma_start3A_7 : memref<2x4096xf32, #tpu.memory_space<hbm>>) target(%arg4 : memref<2x4096xf32, #tpu.memory_space<vmem>>) target_semaphore(%arg12 : memref<!tpu.dma_semaphore, #tpu.memory_space<semaphore_mem>>)
    %add3A_8 = arith.constant 2 : i32
    %add3A_9 = arith.addi %mul3A_2, %add3A_8 : i32
    %dma_start3A_10 = arith.constant 0 : i32
    %dma_start3A_11 = tpu.memref_slice %arg2[%add3A_9, %dma_start3A_10] : memref<4096x4096xf32, #tpu.memory_space<hbm>> -> memref<2x4096xf32, #tpu.memory_space<hbm>>
    %dma_start3A_12 = arith.constant 0 : i32
    %dma_start3A_13 = tpu.memref_slice %arg2[%add3A_9, %dma_start3A_12] : memref<4096x4096xf32, #tpu.memory_space<hbm>> -> memref<2x4096xf32, #tpu.memory_space<hbm>>
    tpu.enqueue_dma source(%dma_start3A_13 : memref<2x4096xf32, #tpu.memory_space<hbm>>) target(%arg5 : memref<2x4096xf32, #tpu.memory_space<vmem>>) target_semaphore(%arg13 : memref<!tpu.dma_semaphore, #tpu.memory_space<semaphore_mem>>)
    %add3A_14 = arith.constant 4 : i32
    %add3A_15 = arith.addi %mul3A_2, %add3A_14 : i32
    %dma_start3A_16 = arith.constant 0 : i32
    %dma_start3A_17 = tpu.memref_slice %arg2[%add3A_15, %dma_start3A_16] : memref<4096x4096xf32, #tpu.memory_space<hbm>> -> memref<2x4096xf32, #tpu.memory_space<hbm>>
    %dma_start3A_18 = arith.constant 0 : i32
    %dma_start3A_19 = tpu.memref_slice %arg2[%add3A_15, %dma_start3A_18] : memref<4096x4096xf32, #tpu.memory_space<hbm>> -> memref<2x4096xf32, #tpu.memory_space<hbm>>
    tpu.enqueue_dma source(%dma_start3A_19 : memref<2x4096xf32, #tpu.memory_space<hbm>>) target(%arg6 : memref<2x4096xf32, #tpu.memory_space<vmem>>) target_semaphore(%arg14 : memref<!tpu.dma_semaphore, #tpu.memory_space<semaphore_mem>>)
    %add3A_20 = arith.constant 6 : i32
    %add3A_21 = arith.addi %mul3A_2, %add3A_20 : i32
    %dma_start3A_22 = arith.constant 0 : i32
    %dma_start3A_23 = tpu.memref_slice %arg2[%add3A_21, %dma_start3A_22] : memref<4096x4096xf32, #tpu.memory_space<hbm>> -> memref<2x4096xf32, #tpu.memory_space<hbm>>
    %dma_start3A_24 = arith.constant 0 : i32
    %dma_start3A_25 = tpu.memref_slice %arg2[%add3A_21, %dma_start3A_24] : memref<4096x4096xf32, #tpu.memory_space<hbm>> -> memref<2x4096xf32, #tpu.memory_space<hbm>>
    tpu.enqueue_dma source(%dma_start3A_25 : memref<2x4096xf32, #tpu.memory_space<hbm>>) target(%arg7 : memref<2x4096xf32, #tpu.memory_space<vmem>>) target_semaphore(%arg15 : memref<!tpu.dma_semaphore, #tpu.memory_space<semaphore_mem>>)
    %scan3A = arith.constant 0 : i32
    %scan3A_26 = arith.constant 0 : i32
    %scan3A_27 = arith.constant 16 : i32
    %scan3A_28 = arith.addi %scan3A_26, %scan3A_27 : i32
    %scan3A_29 = arith.constant 1 : i32
    scf.for %scan3A_61 = %scan3A_26 to %scan3A_28 step %scan3A_29  : i32 {
      %mul3A_62 = arith.constant 4 : i32
      %mul3A_63 = arith.muli %scan3A_61, %mul3A_62 : i32
      %mul3A_64 = arith.constant 2 : i32
      %mul3A_65 = arith.muli %mul3A_63, %mul3A_64 : i32
      %add3A_66 = arith.addi %mul3A_2, %mul3A_65 : i32
      %add3A_67 = arith.constant 0 : i32
      %add3A_68 = arith.addi %add3A_66, %add3A_67 : i32
      %dma_wait3A_69 = arith.constant 0 : i32
      %dma_wait3A_70 = tpu.memref_slice %arg2[%add3A_68, %dma_wait3A_69] : memref<4096x4096xf32, #tpu.memory_space<hbm>> -> memref<2x4096xf32, #tpu.memory_space<hbm>>
      %dma_wait3A_71 = arith.constant 0 : i32
      %dma_wait3A_72 = tpu.memref_slice %arg2[%add3A_68, %dma_wait3A_71] : memref<4096x4096xf32, #tpu.memory_space<hbm>> -> memref<2x4096xf32, #tpu.memory_space<hbm>>
      tpu.wait_dma2 semaphore(%arg12 : memref<!tpu.dma_semaphore, #tpu.memory_space<semaphore_mem>>) src(%dma_wait3A_72 : memref<2x4096xf32, #tpu.memory_space<hbm>>) dst(%arg4 : memref<2x4096xf32, #tpu.memory_space<vmem>>)
      %gt3A = arith.constant 0 : i32
      %gt3A_73 = arith.cmpi sgt, %scan3A_61, %gt3A : i32
      %convert_element_type3A = arith.extui %gt3A_73 : i1 to i32
      %cond3A = arith.constant 0 : i32
      %cond3A_74 = arith.cmpi ne, %convert_element_type3A, %cond3A : i32
      scf.if %cond3A_74 {
        %sub3A_189 = arith.constant 8 : i32
        %sub3A_190 = arith.subi %add3A_68, %sub3A_189 : i32
        %dma_wait3A_191 = arith.constant 0 : i32
        %dma_wait3A_192 = tpu.memref_slice %arg3[%sub3A_190, %dma_wait3A_191] : memref<4096x4096xi32, #tpu.memory_space<hbm>> -> memref<2x4096xi32, #tpu.memory_space<hbm>>
        %dma_wait3A_193 = arith.constant 0 : i32
        %dma_wait3A_194 = tpu.memref_slice %arg3[%sub3A_190, %dma_wait3A_193] : memref<4096x4096xi32, #tpu.memory_space<hbm>> -> memref<2x4096xi32, #tpu.memory_space<hbm>>
        tpu.wait_dma2 semaphore(%arg16 : memref<!tpu.dma_semaphore, #tpu.memory_space<semaphore_mem>>) src(%arg8 : memref<2x4096xi32, #tpu.memory_space<vmem>>) dst(%dma_wait3A_194 : memref<2x4096xi32, #tpu.memory_space<hbm>>)
      } else {
      }
      %broadcast_in_dim3A = arith.constant 16 : i32
      %broadcast_in_dim3A_75 = vector.broadcast %broadcast_in_dim3A : i32 to vector<16xi32>
      %broadcast_in_dim3A_76 = arith.constant 17 : i32
      %broadcast_in_dim3A_77 = vector.broadcast %broadcast_in_dim3A_76 : i32 to vector<16xi32>
      %parallel_loop3A = arith.constant 0 : i32
      %parallel_loop3A_78 = arith.constant 4096 : i32
      %parallel_loop3A_79 = arith.constant 16 : i32
      scf.for %parallel_loop3A_189 = %parallel_loop3A to %parallel_loop3A_78 step %parallel_loop3A_79  : i32 {
        %parallel_loop3A_190 = arith.constant 0 : i32
        %parallel_loop3A_191 = arith.index_cast %parallel_loop3A_190 : i32 to index
        %parallel_loop3A_192 = arith.index_cast %parallel_loop3A_189 : i32 to index
        %parallel_loop3A_193 = tpu.vector_load %arg4[%parallel_loop3A_191, %parallel_loop3A_192] {strides = array<i32>} : memref<2x4096xf32, #tpu.memory_space<vmem>>, vector<1x16xf32>,
        %parallel_loop3A_194 = vector.shape_cast %parallel_loop3A_193 : vector<1x16xf32> to vector<16xf32>
        %parallel_loop3A_195 = arith.constant 4.000000e+00 : f32
        %parallel_loop3A_196 = vector.broadcast %parallel_loop3A_195 : f32 to vector<16xf32>
        %parallel_loop3A_197 = arith.mulf %parallel_loop3A_194, %parallel_loop3A_196 : vector<16xf32>
        %parallel_loop3A_198 = arith.constant -1.700000e+01 : f32
        %parallel_loop3A_199 = vector.broadcast %parallel_loop3A_198 : f32 to vector<16xf32>
        %parallel_loop3A_200 = arith.maximumf %parallel_loop3A_197, %parallel_loop3A_199 : vector<16xf32>
        %parallel_loop3A_201 = arith.constant 1.600000e+01 : f32
        %parallel_loop3A_202 = vector.broadcast %parallel_loop3A_201 : f32 to vector<16xf32>
        %parallel_loop3A_203 = arith.minimumf %parallel_loop3A_200, %parallel_loop3A_202 : vector<16xf32>
        %parallel_loop3A_204 = arith.fptosi %parallel_loop3A_203 : vector<16xf32> to vector<16xi32>
        %parallel_loop3A_205 = arith.sitofp %parallel_loop3A_204 : vector<16xi32> to vector<16xf32>
        %parallel_loop3A_206 = arith.cmpf ogt, %parallel_loop3A_205, %parallel_loop3A_203 : vector<16xf32>
        %parallel_loop3A_207 = arith.select %parallel_loop3A_206, %broadcast_in_dim3A_75, %broadcast_in_dim3A_77 : vector<16xi1>, vector<16xi32>
        %parallel_loop3A_208 = arith.addi %parallel_loop3A_204, %parallel_loop3A_207 : vector<16xi32>
        %parallel_loop3A_209 = arith.constant 0 : i32
        %parallel_loop3A_210 = arith.index_cast %parallel_loop3A_209 : i32 to index
        %parallel_loop3A_211 = arith.index_cast %parallel_loop3A_189 : i32 to index
        %parallel_loop3A_212 = tpu.vector_load %arg8[%parallel_loop3A_210, %parallel_loop3A_211] {strides = array<i32>} : memref<2x4096xi32, #tpu.memory_space<vmem>>, vector<1x16xi32>,
        %parallel_loop3A_213 = vector.shape_cast %parallel_loop3A_212 : vector<1x16xi32> to vector<16xi32>
        %parallel_loop3A_214 = vector.shape_cast %parallel_loop3A_208 : vector<16xi32> to vector<1x16xi32>
        tpu.vector_store %arg8[%parallel_loop3A_210, %parallel_loop3A_211], %parallel_loop3A_214 {strides = array<i32>} : memref<2x4096xi32, #tpu.memory_space<vmem>>, vector<1x16xi32>,
      } {sc.loop_unroll_factor = 16 : i64, sc.parallel_access}
      %parallel_loop3A_80 = arith.constant 0 : i32
      %parallel_loop3A_81 = arith.constant 4096 : i32
      %parallel_loop3A_82 = arith.constant 16 : i32
      scf.for %parallel_loop3A_189 = %parallel_loop3A_80 to %parallel_loop3A_81 step %parallel_loop3A_82  : i32 {
        %parallel_loop3A_190 = arith.constant 1 : i32
        %parallel_loop3A_191 = arith.index_cast %parallel_loop3A_190 : i32 to index
        %parallel_loop3A_192 = arith.index_cast %parallel_loop3A_189 : i32 to index
        %parallel_loop3A_193 = tpu.vector_load %arg4[%parallel_loop3A_191, %parallel_loop3A_192] {strides = array<i32>} : memref<2x4096xf32, #tpu.memory_space<vmem>>, vector<1x16xf32>,
        %parallel_loop3A_194 = vector.shape_cast %parallel_loop3A_193 : vector<1x16xf32> to vector<16xf32>
        %parallel_loop3A_195 = arith.constant 4.000000e+00 : f32
        %parallel_loop3A_196 = vector.broadcast %parallel_loop3A_195 : f32 to vector<16xf32>
        %parallel_loop3A_197 = arith.mulf %parallel_loop3A_194, %parallel_loop3A_196 : vector<16xf32>
        %parallel_loop3A_198 = arith.constant -1.700000e+01 : f32
        %parallel_loop3A_199 = vector.broadcast %parallel_loop3A_198 : f32 to vector<16xf32>
        %parallel_loop3A_200 = arith.maximumf %parallel_loop3A_197, %parallel_loop3A_199 : vector<16xf32>
        %parallel_loop3A_201 = arith.constant 1.600000e+01 : f32
        %parallel_loop3A_202 = vector.broadcast %parallel_loop3A_201 : f32 to vector<16xf32>
        %parallel_loop3A_203 = arith.minimumf %parallel_loop3A_200, %parallel_loop3A_202 : vector<16xf32>
        %parallel_loop3A_204 = arith.fptosi %parallel_loop3A_203 : vector<16xf32> to vector<16xi32>
        %parallel_loop3A_205 = arith.sitofp %parallel_loop3A_204 : vector<16xi32> to vector<16xf32>
        %parallel_loop3A_206 = arith.cmpf ogt, %parallel_loop3A_205, %parallel_loop3A_203 : vector<16xf32>
        %parallel_loop3A_207 = arith.select %parallel_loop3A_206, %broadcast_in_dim3A_75, %broadcast_in_dim3A_77 : vector<16xi1>, vector<16xi32>
        %parallel_loop3A_208 = arith.addi %parallel_loop3A_204, %parallel_loop3A_207 : vector<16xi32>
        %parallel_loop3A_209 = arith.constant 1 : i32
        %parallel_loop3A_210 = arith.index_cast %parallel_loop3A_209 : i32 to index
        %parallel_loop3A_211 = arith.index_cast %parallel_loop3A_189 : i32 to index
        %parallel_loop3A_212 = tpu.vector_load %arg8[%parallel_loop3A_210, %parallel_loop3A_211] {strides = array<i32>} : memref<2x4096xi32, #tpu.memory_space<vmem>>, vector<1x16xi32>,
        %parallel_loop3A_213 = vector.shape_cast %parallel_loop3A_212 : vector<1x16xi32> to vector<16xi32>
        %parallel_loop3A_214 = vector.shape_cast %parallel_loop3A_208 : vector<16xi32> to vector<1x16xi32>
        tpu.vector_store %arg8[%parallel_loop3A_210, %parallel_loop3A_211], %parallel_loop3A_214 {strides = array<i32>} : memref<2x4096xi32, #tpu.memory_space<vmem>>, vector<1x16xi32>,
      } {sc.loop_unroll_factor = 16 : i64, sc.parallel_access}
      %dma_start3A_83 = arith.constant 0 : i32
      %dma_start3A_84 = tpu.memref_slice %arg3[%add3A_68, %dma_start3A_83] : memref<4096x4096xi32, #tpu.memory_space<hbm>> -> memref<2x4096xi32, #tpu.memory_space<hbm>>
      %dma_start3A_85 = arith.constant 0 : i32
      %dma_start3A_86 = tpu.memref_slice %arg3[%add3A_68, %dma_start3A_85] : memref<4096x4096xi32, #tpu.memory_space<hbm>> -> memref<2x4096xi32, #tpu.memory_space<hbm>>
      tpu.enqueue_dma source(%arg8 : memref<2x4096xi32, #tpu.memory_space<vmem>>) target(%dma_start3A_86 : memref<2x4096xi32, #tpu.memory_space<hbm>>) target_semaphore(%arg16 : memref<!tpu.dma_semaphore, #tpu.memory_space<semaphore_mem>>)
      %add3A_87 = arith.constant 1 : i32
      %add3A_88 = arith.addi %scan3A_61, %add3A_87 : i32
      %lt3A = arith.constant 16 : i32
      %lt3A_89 = arith.cmpi slt, %add3A_88, %lt3A : i32
      %convert_element_type3A_90 = arith.extui %lt3A_89 : i1 to i32
      %cond3A_91 = arith.constant 0 : i32
      %cond3A_92 = arith.cmpi ne, %convert_element_type3A_90, %cond3A_91 : i32
      scf.if %cond3A_92 {
        %add3A_189 = arith.constant 8 : i32
        %add3A_190 = arith.addi %add3A_68, %add3A_189 : i32
        %dma_start3A_191 = arith.constant 0 : i32
        %dma_start3A_192 = tpu.memref_slice %arg2[%add3A_190, %dma_start3A_191] : memref<4096x4096xf32, #tpu.memory_space<hbm>> -> memref<2x4096xf32, #tpu.memory_space<hbm>>
        %dma_start3A_193 = arith.constant 0 : i32
        %dma_start3A_194 = tpu.memref_slice %arg2[%add3A_190, %dma_start3A_193] : memref<4096x4096xf32, #tpu.memory_space<hbm>> -> memref<2x4096xf32, #tpu.memory_space<hbm>>
        tpu.enqueue_dma source(%dma_start3A_194 : memref<2x4096xf32, #tpu.memory_space<hbm>>) target(%arg4 : memref<2x4096xf32, #tpu.memory_space<vmem>>) target_semaphore(%arg12 : memref<!tpu.dma_semaphore, #tpu.memory_space<semaphore_mem>>)
      } else {
      }
      %add3A_93 = arith.constant 2 : i32
      %add3A_94 = arith.addi %add3A_66, %add3A_93 : i32
      %dma_wait3A_95 = arith.constant 0 : i32
      %dma_wait3A_96 = tpu.memref_slice %arg2[%add3A_94, %dma_wait3A_95] : memref<4096x4096xf32, #tpu.memory_space<hbm>> -> memref<2x4096xf32, #tpu.memory_space<hbm>>
      %dma_wait3A_97 = arith.constant 0 : i32
      %dma_wait3A_98 = tpu.memref_slice %arg2[%add3A_94, %dma_wait3A_97] : memref<4096x4096xf32, #tpu.memory_space<hbm>> -> memref<2x4096xf32, #tpu.memory_space<hbm>>
      tpu.wait_dma2 semaphore(%arg13 : memref<!tpu.dma_semaphore, #tpu.memory_space<semaphore_mem>>) src(%dma_wait3A_98 : memref<2x4096xf32, #tpu.memory_space<hbm>>) dst(%arg5 : memref<2x4096xf32, #tpu.memory_space<vmem>>)
      %gt3A_99 = arith.constant 0 : i32
      %gt3A_100 = arith.cmpi sgt, %scan3A_61, %gt3A_99 : i32
      %convert_element_type3A_101 = arith.extui %gt3A_100 : i1 to i32
      %cond3A_102 = arith.constant 0 : i32
      %cond3A_103 = arith.cmpi ne, %convert_element_type3A_101, %cond3A_102 : i32
      scf.if %cond3A_103 {
        %sub3A_189 = arith.constant 8 : i32
        %sub3A_190 = arith.subi %add3A_94, %sub3A_189 : i32
        %dma_wait3A_191 = arith.constant 0 : i32
        %dma_wait3A_192 = tpu.memref_slice %arg3[%sub3A_190, %dma_wait3A_191] : memref<4096x4096xi32, #tpu.memory_space<hbm>> -> memref<2x4096xi32, #tpu.memory_space<hbm>>
        %dma_wait3A_193 = arith.constant 0 : i32
        %dma_wait3A_194 = tpu.memref_slice %arg3[%sub3A_190, %dma_wait3A_193] : memref<4096x4096xi32, #tpu.memory_space<hbm>> -> memref<2x4096xi32, #tpu.memory_space<hbm>>
        tpu.wait_dma2 semaphore(%arg17 : memref<!tpu.dma_semaphore, #tpu.memory_space<semaphore_mem>>) src(%arg9 : memref<2x4096xi32, #tpu.memory_space<vmem>>) dst(%dma_wait3A_194 : memref<2x4096xi32, #tpu.memory_space<hbm>>)
      } else {
      }
      %broadcast_in_dim3A_104 = arith.constant 16 : i32
      %broadcast_in_dim3A_105 = vector.broadcast %broadcast_in_dim3A_104 : i32 to vector<16xi32>
      %broadcast_in_dim3A_106 = arith.constant 17 : i32
      %broadcast_in_dim3A_107 = vector.broadcast %broadcast_in_dim3A_106 : i32 to vector<16xi32>
      %parallel_loop3A_108 = arith.constant 0 : i32
      %parallel_loop3A_109 = arith.constant 4096 : i32
      %parallel_loop3A_110 = arith.constant 16 : i32
      scf.for %parallel_loop3A_189 = %parallel_loop3A_108 to %parallel_loop3A_109 step %parallel_loop3A_110  : i32 {
        %parallel_loop3A_190 = arith.constant 0 : i32
        %parallel_loop3A_191 = arith.index_cast %parallel_loop3A_190 : i32 to index
        %parallel_loop3A_192 = arith.index_cast %parallel_loop3A_189 : i32 to index
        %parallel_loop3A_193 = tpu.vector_load %arg5[%parallel_loop3A_191, %parallel_loop3A_192] {strides = array<i32>} : memref<2x4096xf32, #tpu.memory_space<vmem>>, vector<1x16xf32>,
        %parallel_loop3A_194 = vector.shape_cast %parallel_loop3A_193 : vector<1x16xf32> to vector<16xf32>
        %parallel_loop3A_195 = arith.constant 4.000000e+00 : f32
        %parallel_loop3A_196 = vector.broadcast %parallel_loop3A_195 : f32 to vector<16xf32>
        %parallel_loop3A_197 = arith.mulf %parallel_loop3A_194, %parallel_loop3A_196 : vector<16xf32>
        %parallel_loop3A_198 = arith.constant -1.700000e+01 : f32
        %parallel_loop3A_199 = vector.broadcast %parallel_loop3A_198 : f32 to vector<16xf32>
        %parallel_loop3A_200 = arith.maximumf %parallel_loop3A_197, %parallel_loop3A_199 : vector<16xf32>
        %parallel_loop3A_201 = arith.constant 1.600000e+01 : f32
        %parallel_loop3A_202 = vector.broadcast %parallel_loop3A_201 : f32 to vector<16xf32>
        %parallel_loop3A_203 = arith.minimumf %parallel_loop3A_200, %parallel_loop3A_202 : vector<16xf32>
        %parallel_loop3A_204 = arith.fptosi %parallel_loop3A_203 : vector<16xf32> to vector<16xi32>
        %parallel_loop3A_205 = arith.sitofp %parallel_loop3A_204 : vector<16xi32> to vector<16xf32>
        %parallel_loop3A_206 = arith.cmpf ogt, %parallel_loop3A_205, %parallel_loop3A_203 : vector<16xf32>
        %parallel_loop3A_207 = arith.select %parallel_loop3A_206, %broadcast_in_dim3A_105, %broadcast_in_dim3A_107 : vector<16xi1>, vector<16xi32>
        %parallel_loop3A_208 = arith.addi %parallel_loop3A_204, %parallel_loop3A_207 : vector<16xi32>
        %parallel_loop3A_209 = arith.constant 0 : i32
        %parallel_loop3A_210 = arith.index_cast %parallel_loop3A_209 : i32 to index
        %parallel_loop3A_211 = arith.index_cast %parallel_loop3A_189 : i32 to index
        %parallel_loop3A_212 = tpu.vector_load %arg9[%parallel_loop3A_210, %parallel_loop3A_211] {strides = array<i32>} : memref<2x4096xi32, #tpu.memory_space<vmem>>, vector<1x16xi32>,
        %parallel_loop3A_213 = vector.shape_cast %parallel_loop3A_212 : vector<1x16xi32> to vector<16xi32>
        %parallel_loop3A_214 = vector.shape_cast %parallel_loop3A_208 : vector<16xi32> to vector<1x16xi32>
        tpu.vector_store %arg9[%parallel_loop3A_210, %parallel_loop3A_211], %parallel_loop3A_214 {strides = array<i32>} : memref<2x4096xi32, #tpu.memory_space<vmem>>, vector<1x16xi32>,
      } {sc.loop_unroll_factor = 16 : i64, sc.parallel_access}
      %parallel_loop3A_111 = arith.constant 0 : i32
      %parallel_loop3A_112 = arith.constant 4096 : i32
      %parallel_loop3A_113 = arith.constant 16 : i32
      scf.for %parallel_loop3A_189 = %parallel_loop3A_111 to %parallel_loop3A_112 step %parallel_loop3A_113  : i32 {
        %parallel_loop3A_190 = arith.constant 1 : i32
        %parallel_loop3A_191 = arith.index_cast %parallel_loop3A_190 : i32 to index
        %parallel_loop3A_192 = arith.index_cast %parallel_loop3A_189 : i32 to index
        %parallel_loop3A_193 = tpu.vector_load %arg5[%parallel_loop3A_191, %parallel_loop3A_192] {strides = array<i32>} : memref<2x4096xf32, #tpu.memory_space<vmem>>, vector<1x16xf32>,
        %parallel_loop3A_194 = vector.shape_cast %parallel_loop3A_193 : vector<1x16xf32> to vector<16xf32>
        %parallel_loop3A_195 = arith.constant 4.000000e+00 : f32
        %parallel_loop3A_196 = vector.broadcast %parallel_loop3A_195 : f32 to vector<16xf32>
        %parallel_loop3A_197 = arith.mulf %parallel_loop3A_194, %parallel_loop3A_196 : vector<16xf32>
        %parallel_loop3A_198 = arith.constant -1.700000e+01 : f32
        %parallel_loop3A_199 = vector.broadcast %parallel_loop3A_198 : f32 to vector<16xf32>
        %parallel_loop3A_200 = arith.maximumf %parallel_loop3A_197, %parallel_loop3A_199 : vector<16xf32>
        %parallel_loop3A_201 = arith.constant 1.600000e+01 : f32
        %parallel_loop3A_202 = vector.broadcast %parallel_loop3A_201 : f32 to vector<16xf32>
        %parallel_loop3A_203 = arith.minimumf %parallel_loop3A_200, %parallel_loop3A_202 : vector<16xf32>
        %parallel_loop3A_204 = arith.fptosi %parallel_loop3A_203 : vector<16xf32> to vector<16xi32>
        %parallel_loop3A_205 = arith.sitofp %parallel_loop3A_204 : vector<16xi32> to vector<16xf32>
        %parallel_loop3A_206 = arith.cmpf ogt, %parallel_loop3A_205, %parallel_loop3A_203 : vector<16xf32>
        %parallel_loop3A_207 = arith.select %parallel_loop3A_206, %broadcast_in_dim3A_105, %broadcast_in_dim3A_107 : vector<16xi1>, vector<16xi32>
        %parallel_loop3A_208 = arith.addi %parallel_loop3A_204, %parallel_loop3A_207 : vector<16xi32>
        %parallel_loop3A_209 = arith.constant 1 : i32
        %parallel_loop3A_210 = arith.index_cast %parallel_loop3A_209 : i32 to index
        %parallel_loop3A_211 = arith.index_cast %parallel_loop3A_189 : i32 to index
        %parallel_loop3A_212 = tpu.vector_load %arg9[%parallel_loop3A_210, %parallel_loop3A_211] {strides = array<i32>} : memref<2x4096xi32, #tpu.memory_space<vmem>>, vector<1x16xi32>,
        %parallel_loop3A_213 = vector.shape_cast %parallel_loop3A_212 : vector<1x16xi32> to vector<16xi32>
        %parallel_loop3A_214 = vector.shape_cast %parallel_loop3A_208 : vector<16xi32> to vector<1x16xi32>
        tpu.vector_store %arg9[%parallel_loop3A_210, %parallel_loop3A_211], %parallel_loop3A_214 {strides = array<i32>} : memref<2x4096xi32, #tpu.memory_space<vmem>>, vector<1x16xi32>,
      } {sc.loop_unroll_factor = 16 : i64, sc.parallel_access}
      %dma_start3A_114 = arith.constant 0 : i32
      %dma_start3A_115 = tpu.memref_slice %arg3[%add3A_94, %dma_start3A_114] : memref<4096x4096xi32, #tpu.memory_space<hbm>> -> memref<2x4096xi32, #tpu.memory_space<hbm>>
      %dma_start3A_116 = arith.constant 0 : i32
      %dma_start3A_117 = tpu.memref_slice %arg3[%add3A_94, %dma_start3A_116] : memref<4096x4096xi32, #tpu.memory_space<hbm>> -> memref<2x4096xi32, #tpu.memory_space<hbm>>
      tpu.enqueue_dma source(%arg9 : memref<2x4096xi32, #tpu.memory_space<vmem>>) target(%dma_start3A_117 : memref<2x4096xi32, #tpu.memory_space<hbm>>) target_semaphore(%arg17 : memref<!tpu.dma_semaphore, #tpu.memory_space<semaphore_mem>>)
      %add3A_118 = arith.constant 1 : i32
      %add3A_119 = arith.addi %scan3A_61, %add3A_118 : i32
      %lt3A_120 = arith.constant 16 : i32
      %lt3A_121 = arith.cmpi slt, %add3A_119, %lt3A_120 : i32
      %convert_element_type3A_122 = arith.extui %lt3A_121 : i1 to i32
      %cond3A_123 = arith.constant 0 : i32
      %cond3A_124 = arith.cmpi ne, %convert_element_type3A_122, %cond3A_123 : i32
      scf.if %cond3A_124 {
        %add3A_189 = arith.constant 8 : i32
        %add3A_190 = arith.addi %add3A_94, %add3A_189 : i32
        %dma_start3A_191 = arith.constant 0 : i32
        %dma_start3A_192 = tpu.memref_slice %arg2[%add3A_190, %dma_start3A_191] : memref<4096x4096xf32, #tpu.memory_space<hbm>> -> memref<2x4096xf32, #tpu.memory_space<hbm>>
        %dma_start3A_193 = arith.constant 0 : i32
        %dma_start3A_194 = tpu.memref_slice %arg2[%add3A_190, %dma_start3A_193] : memref<4096x4096xf32, #tpu.memory_space<hbm>> -> memref<2x4096xf32, #tpu.memory_space<hbm>>
        tpu.enqueue_dma source(%dma_start3A_194 : memref<2x4096xf32, #tpu.memory_space<hbm>>) target(%arg5 : memref<2x4096xf32, #tpu.memory_space<vmem>>) target_semaphore(%arg13 : memref<!tpu.dma_semaphore, #tpu.memory_space<semaphore_mem>>)
      } else {
      }
      %add3A_125 = arith.constant 4 : i32
      %add3A_126 = arith.addi %add3A_66, %add3A_125 : i32
      %dma_wait3A_127 = arith.constant 0 : i32
      %dma_wait3A_128 = tpu.memref_slice %arg2[%add3A_126, %dma_wait3A_127] : memref<4096x4096xf32, #tpu.memory_space<hbm>> -> memref<2x4096xf32, #tpu.memory_space<hbm>>
      %dma_wait3A_129 = arith.constant 0 : i32
      %dma_wait3A_130 = tpu.memref_slice %arg2[%add3A_126, %dma_wait3A_129] : memref<4096x4096xf32, #tpu.memory_space<hbm>> -> memref<2x4096xf32, #tpu.memory_space<hbm>>
      tpu.wait_dma2 semaphore(%arg14 : memref<!tpu.dma_semaphore, #tpu.memory_space<semaphore_mem>>) src(%dma_wait3A_130 : memref<2x4096xf32, #tpu.memory_space<hbm>>) dst(%arg6 : memref<2x4096xf32, #tpu.memory_space<vmem>>)
      %gt3A_131 = arith.constant 0 : i32
      %gt3A_132 = arith.cmpi sgt, %scan3A_61, %gt3A_131 : i32
      %convert_element_type3A_133 = arith.extui %gt3A_132 : i1 to i32
      %cond3A_134 = arith.constant 0 : i32
      %cond3A_135 = arith.cmpi ne, %convert_element_type3A_133, %cond3A_134 : i32
      scf.if %cond3A_135 {
        %sub3A_189 = arith.constant 8 : i32
        %sub3A_190 = arith.subi %add3A_126, %sub3A_189 : i32
        %dma_wait3A_191 = arith.constant 0 : i32
        %dma_wait3A_192 = tpu.memref_slice %arg3[%sub3A_190, %dma_wait3A_191] : memref<4096x4096xi32, #tpu.memory_space<hbm>> -> memref<2x4096xi32, #tpu.memory_space<hbm>>
        %dma_wait3A_193 = arith.constant 0 : i32
        %dma_wait3A_194 = tpu.memref_slice %arg3[%sub3A_190, %dma_wait3A_193] : memref<4096x4096xi32, #tpu.memory_space<hbm>> -> memref<2x4096xi32, #tpu.memory_space<hbm>>
        tpu.wait_dma2 semaphore(%arg18 : memref<!tpu.dma_semaphore, #tpu.memory_space<semaphore_mem>>) src(%arg10 : memref<2x4096xi32, #tpu.memory_space<vmem>>) dst(%dma_wait3A_194 : memref<2x4096xi32, #tpu.memory_space<hbm>>)
      } else {
      }
      %broadcast_in_dim3A_136 = arith.constant 16 : i32
      %broadcast_in_dim3A_137 = vector.broadcast %broadcast_in_dim3A_136 : i32 to vector<16xi32>
      %broadcast_in_dim3A_138 = arith.constant 17 : i32
      %broadcast_in_dim3A_139 = vector.broadcast %broadcast_in_dim3A_138 : i32 to vector<16xi32>
      %parallel_loop3A_140 = arith.constant 0 : i32
      %parallel_loop3A_141 = arith.constant 4096 : i32
      %parallel_loop3A_142 = arith.constant 16 : i32
      scf.for %parallel_loop3A_189 = %parallel_loop3A_140 to %parallel_loop3A_141 step %parallel_loop3A_142  : i32 {
        %parallel_loop3A_190 = arith.constant 0 : i32
        %parallel_loop3A_191 = arith.index_cast %parallel_loop3A_190 : i32 to index
        %parallel_loop3A_192 = arith.index_cast %parallel_loop3A_189 : i32 to index
        %parallel_loop3A_193 = tpu.vector_load %arg6[%parallel_loop3A_191, %parallel_loop3A_192] {strides = array<i32>} : memref<2x4096xf32, #tpu.memory_space<vmem>>, vector<1x16xf32>,
        %parallel_loop3A_194 = vector.shape_cast %parallel_loop3A_193 : vector<1x16xf32> to vector<16xf32>
        %parallel_loop3A_195 = arith.constant 4.000000e+00 : f32
        %parallel_loop3A_196 = vector.broadcast %parallel_loop3A_195 : f32 to vector<16xf32>
        %parallel_loop3A_197 = arith.mulf %parallel_loop3A_194, %parallel_loop3A_196 : vector<16xf32>
        %parallel_loop3A_198 = arith.constant -1.700000e+01 : f32
        %parallel_loop3A_199 = vector.broadcast %parallel_loop3A_198 : f32 to vector<16xf32>
        %parallel_loop3A_200 = arith.maximumf %parallel_loop3A_197, %parallel_loop3A_199 : vector<16xf32>
        %parallel_loop3A_201 = arith.constant 1.600000e+01 : f32
        %parallel_loop3A_202 = vector.broadcast %parallel_loop3A_201 : f32 to vector<16xf32>
        %parallel_loop3A_203 = arith.minimumf %parallel_loop3A_200, %parallel_loop3A_202 : vector<16xf32>
        %parallel_loop3A_204 = arith.fptosi %parallel_loop3A_203 : vector<16xf32> to vector<16xi32>
        %parallel_loop3A_205 = arith.sitofp %parallel_loop3A_204 : vector<16xi32> to vector<16xf32>
        %parallel_loop3A_206 = arith.cmpf ogt, %parallel_loop3A_205, %parallel_loop3A_203 : vector<16xf32>
        %parallel_loop3A_207 = arith.select %parallel_loop3A_206, %broadcast_in_dim3A_137, %broadcast_in_dim3A_139 : vector<16xi1>, vector<16xi32>
        %parallel_loop3A_208 = arith.addi %parallel_loop3A_204, %parallel_loop3A_207 : vector<16xi32>
        %parallel_loop3A_209 = arith.constant 0 : i32
        %parallel_loop3A_210 = arith.index_cast %parallel_loop3A_209 : i32 to index
        %parallel_loop3A_211 = arith.index_cast %parallel_loop3A_189 : i32 to index
        %parallel_loop3A_212 = tpu.vector_load %arg10[%parallel_loop3A_210, %parallel_loop3A_211] {strides = array<i32>} : memref<2x4096xi32, #tpu.memory_space<vmem>>, vector<1x16xi32>,
        %parallel_loop3A_213 = vector.shape_cast %parallel_loop3A_212 : vector<1x16xi32> to vector<16xi32>
        %parallel_loop3A_214 = vector.shape_cast %parallel_loop3A_208 : vector<16xi32> to vector<1x16xi32>
        tpu.vector_store %arg10[%parallel_loop3A_210, %parallel_loop3A_211], %parallel_loop3A_214 {strides = array<i32>} : memref<2x4096xi32, #tpu.memory_space<vmem>>, vector<1x16xi32>,
      } {sc.loop_unroll_factor = 16 : i64, sc.parallel_access}
      %parallel_loop3A_143 = arith.constant 0 : i32
      %parallel_loop3A_144 = arith.constant 4096 : i32
      %parallel_loop3A_145 = arith.constant 16 : i32
      scf.for %parallel_loop3A_189 = %parallel_loop3A_143 to %parallel_loop3A_144 step %parallel_loop3A_145  : i32 {
        %parallel_loop3A_190 = arith.constant 1 : i32
        %parallel_loop3A_191 = arith.index_cast %parallel_loop3A_190 : i32 to index
        %parallel_loop3A_192 = arith.index_cast %parallel_loop3A_189 : i32 to index
        %parallel_loop3A_193 = tpu.vector_load %arg6[%parallel_loop3A_191, %parallel_loop3A_192] {strides = array<i32>} : memref<2x4096xf32, #tpu.memory_space<vmem>>, vector<1x16xf32>,
        %parallel_loop3A_194 = vector.shape_cast %parallel_loop3A_193 : vector<1x16xf32> to vector<16xf32>
        %parallel_loop3A_195 = arith.constant 4.000000e+00 : f32
        %parallel_loop3A_196 = vector.broadcast %parallel_loop3A_195 : f32 to vector<16xf32>
        %parallel_loop3A_197 = arith.mulf %parallel_loop3A_194, %parallel_loop3A_196 : vector<16xf32>
        %parallel_loop3A_198 = arith.constant -1.700000e+01 : f32
        %parallel_loop3A_199 = vector.broadcast %parallel_loop3A_198 : f32 to vector<16xf32>
        %parallel_loop3A_200 = arith.maximumf %parallel_loop3A_197, %parallel_loop3A_199 : vector<16xf32>
        %parallel_loop3A_201 = arith.constant 1.600000e+01 : f32
        %parallel_loop3A_202 = vector.broadcast %parallel_loop3A_201 : f32 to vector<16xf32>
        %parallel_loop3A_203 = arith.minimumf %parallel_loop3A_200, %parallel_loop3A_202 : vector<16xf32>
        %parallel_loop3A_204 = arith.fptosi %parallel_loop3A_203 : vector<16xf32> to vector<16xi32>
        %parallel_loop3A_205 = arith.sitofp %parallel_loop3A_204 : vector<16xi32> to vector<16xf32>
        %parallel_loop3A_206 = arith.cmpf ogt, %parallel_loop3A_205, %parallel_loop3A_203 : vector<16xf32>
        %parallel_loop3A_207 = arith.select %parallel_loop3A_206, %broadcast_in_dim3A_137, %broadcast_in_dim3A_139 : vector<16xi1>, vector<16xi32>
        %parallel_loop3A_208 = arith.addi %parallel_loop3A_204, %parallel_loop3A_207 : vector<16xi32>
        %parallel_loop3A_209 = arith.constant 1 : i32
        %parallel_loop3A_210 = arith.index_cast %parallel_loop3A_209 : i32 to index
        %parallel_loop3A_211 = arith.index_cast %parallel_loop3A_189 : i32 to index
        %parallel_loop3A_212 = tpu.vector_load %arg10[%parallel_loop3A_210, %parallel_loop3A_211] {strides = array<i32>} : memref<2x4096xi32, #tpu.memory_space<vmem>>, vector<1x16xi32>,
        %parallel_loop3A_213 = vector.shape_cast %parallel_loop3A_212 : vector<1x16xi32> to vector<16xi32>
        %parallel_loop3A_214 = vector.shape_cast %parallel_loop3A_208 : vector<16xi32> to vector<1x16xi32>
        tpu.vector_store %arg10[%parallel_loop3A_210, %parallel_loop3A_211], %parallel_loop3A_214 {strides = array<i32>} : memref<2x4096xi32, #tpu.memory_space<vmem>>, vector<1x16xi32>,
      } {sc.loop_unroll_factor = 16 : i64, sc.parallel_access}
      %dma_start3A_146 = arith.constant 0 : i32
      %dma_start3A_147 = tpu.memref_slice %arg3[%add3A_126, %dma_start3A_146] : memref<4096x4096xi32, #tpu.memory_space<hbm>> -> memref<2x4096xi32, #tpu.memory_space<hbm>>
      %dma_start3A_148 = arith.constant 0 : i32
      %dma_start3A_149 = tpu.memref_slice %arg3[%add3A_126, %dma_start3A_148] : memref<4096x4096xi32, #tpu.memory_space<hbm>> -> memref<2x4096xi32, #tpu.memory_space<hbm>>
      tpu.enqueue_dma source(%arg10 : memref<2x4096xi32, #tpu.memory_space<vmem>>) target(%dma_start3A_149 : memref<2x4096xi32, #tpu.memory_space<hbm>>) target_semaphore(%arg18 : memref<!tpu.dma_semaphore, #tpu.memory_space<semaphore_mem>>)
      %add3A_150 = arith.constant 1 : i32
      %add3A_151 = arith.addi %scan3A_61, %add3A_150 : i32
      %lt3A_152 = arith.constant 16 : i32
      %lt3A_153 = arith.cmpi slt, %add3A_151, %lt3A_152 : i32
      %convert_element_type3A_154 = arith.extui %lt3A_153 : i1 to i32
      %cond3A_155 = arith.constant 0 : i32
      %cond3A_156 = arith.cmpi ne, %convert_element_type3A_154, %cond3A_155 : i32
      scf.if %cond3A_156 {
        %add3A_189 = arith.constant 8 : i32
        %add3A_190 = arith.addi %add3A_126, %add3A_189 : i32
        %dma_start3A_191 = arith.constant 0 : i32
        %dma_start3A_192 = tpu.memref_slice %arg2[%add3A_190, %dma_start3A_191] : memref<4096x4096xf32, #tpu.memory_space<hbm>> -> memref<2x4096xf32, #tpu.memory_space<hbm>>
        %dma_start3A_193 = arith.constant 0 : i32
        %dma_start3A_194 = tpu.memref_slice %arg2[%add3A_190, %dma_start3A_193] : memref<4096x4096xf32, #tpu.memory_space<hbm>> -> memref<2x4096xf32, #tpu.memory_space<hbm>>
        tpu.enqueue_dma source(%dma_start3A_194 : memref<2x4096xf32, #tpu.memory_space<hbm>>) target(%arg6 : memref<2x4096xf32, #tpu.memory_space<vmem>>) target_semaphore(%arg14 : memref<!tpu.dma_semaphore, #tpu.memory_space<semaphore_mem>>)
      } else {
      }
      %add3A_157 = arith.constant 6 : i32
      %add3A_158 = arith.addi %add3A_66, %add3A_157 : i32
      %dma_wait3A_159 = arith.constant 0 : i32
      %dma_wait3A_160 = tpu.memref_slice %arg2[%add3A_158, %dma_wait3A_159] : memref<4096x4096xf32, #tpu.memory_space<hbm>> -> memref<2x4096xf32, #tpu.memory_space<hbm>>
      %dma_wait3A_161 = arith.constant 0 : i32
      %dma_wait3A_162 = tpu.memref_slice %arg2[%add3A_158, %dma_wait3A_161] : memref<4096x4096xf32, #tpu.memory_space<hbm>> -> memref<2x4096xf32, #tpu.memory_space<hbm>>
      tpu.wait_dma2 semaphore(%arg15 : memref<!tpu.dma_semaphore, #tpu.memory_space<semaphore_mem>>) src(%dma_wait3A_162 : memref<2x4096xf32, #tpu.memory_space<hbm>>) dst(%arg7 : memref<2x4096xf32, #tpu.memory_space<vmem>>)
      %gt3A_163 = arith.constant 0 : i32
      %gt3A_164 = arith.cmpi sgt, %scan3A_61, %gt3A_163 : i32
      %convert_element_type3A_165 = arith.extui %gt3A_164 : i1 to i32
      %cond3A_166 = arith.constant 0 : i32
      %cond3A_167 = arith.cmpi ne, %convert_element_type3A_165, %cond3A_166 : i32
      scf.if %cond3A_167 {
        %sub3A_189 = arith.constant 8 : i32
        %sub3A_190 = arith.subi %add3A_158, %sub3A_189 : i32
        %dma_wait3A_191 = arith.constant 0 : i32
        %dma_wait3A_192 = tpu.memref_slice %arg3[%sub3A_190, %dma_wait3A_191] : memref<4096x4096xi32, #tpu.memory_space<hbm>> -> memref<2x4096xi32, #tpu.memory_space<hbm>>
        %dma_wait3A_193 = arith.constant 0 : i32
        %dma_wait3A_194 = tpu.memref_slice %arg3[%sub3A_190, %dma_wait3A_193] : memref<4096x4096xi32, #tpu.memory_space<hbm>> -> memref<2x4096xi32, #tpu.memory_space<hbm>>
        tpu.wait_dma2 semaphore(%arg19 : memref<!tpu.dma_semaphore, #tpu.memory_space<semaphore_mem>>) src(%arg11 : memref<2x4096xi32, #tpu.memory_space<vmem>>) dst(%dma_wait3A_194 : memref<2x4096xi32, #tpu.memory_space<hbm>>)
      } else {
      }
      %broadcast_in_dim3A_168 = arith.constant 16 : i32
      %broadcast_in_dim3A_169 = vector.broadcast %broadcast_in_dim3A_168 : i32 to vector<16xi32>
      %broadcast_in_dim3A_170 = arith.constant 17 : i32
      %broadcast_in_dim3A_171 = vector.broadcast %broadcast_in_dim3A_170 : i32 to vector<16xi32>
      %parallel_loop3A_172 = arith.constant 0 : i32
      %parallel_loop3A_173 = arith.constant 4096 : i32
      %parallel_loop3A_174 = arith.constant 16 : i32
      scf.for %parallel_loop3A_189 = %parallel_loop3A_172 to %parallel_loop3A_173 step %parallel_loop3A_174  : i32 {
        %parallel_loop3A_190 = arith.constant 0 : i32
        %parallel_loop3A_191 = arith.index_cast %parallel_loop3A_190 : i32 to index
        %parallel_loop3A_192 = arith.index_cast %parallel_loop3A_189 : i32 to index
        %parallel_loop3A_193 = tpu.vector_load %arg7[%parallel_loop3A_191, %parallel_loop3A_192] {strides = array<i32>} : memref<2x4096xf32, #tpu.memory_space<vmem>>, vector<1x16xf32>,
        %parallel_loop3A_194 = vector.shape_cast %parallel_loop3A_193 : vector<1x16xf32> to vector<16xf32>
        %parallel_loop3A_195 = arith.constant 4.000000e+00 : f32
        %parallel_loop3A_196 = vector.broadcast %parallel_loop3A_195 : f32 to vector<16xf32>
        %parallel_loop3A_197 = arith.mulf %parallel_loop3A_194, %parallel_loop3A_196 : vector<16xf32>
        %parallel_loop3A_198 = arith.constant -1.700000e+01 : f32
        %parallel_loop3A_199 = vector.broadcast %parallel_loop3A_198 : f32 to vector<16xf32>
        %parallel_loop3A_200 = arith.maximumf %parallel_loop3A_197, %parallel_loop3A_199 : vector<16xf32>
        %parallel_loop3A_201 = arith.constant 1.600000e+01 : f32
        %parallel_loop3A_202 = vector.broadcast %parallel_loop3A_201 : f32 to vector<16xf32>
        %parallel_loop3A_203 = arith.minimumf %parallel_loop3A_200, %parallel_loop3A_202 : vector<16xf32>
        %parallel_loop3A_204 = arith.fptosi %parallel_loop3A_203 : vector<16xf32> to vector<16xi32>
        %parallel_loop3A_205 = arith.sitofp %parallel_loop3A_204 : vector<16xi32> to vector<16xf32>
        %parallel_loop3A_206 = arith.cmpf ogt, %parallel_loop3A_205, %parallel_loop3A_203 : vector<16xf32>
        %parallel_loop3A_207 = arith.select %parallel_loop3A_206, %broadcast_in_dim3A_169, %broadcast_in_dim3A_171 : vector<16xi1>, vector<16xi32>
        %parallel_loop3A_208 = arith.addi %parallel_loop3A_204, %parallel_loop3A_207 : vector<16xi32>
        %parallel_loop3A_209 = arith.constant 0 : i32
        %parallel_loop3A_210 = arith.index_cast %parallel_loop3A_209 : i32 to index
        %parallel_loop3A_211 = arith.index_cast %parallel_loop3A_189 : i32 to index
        %parallel_loop3A_212 = tpu.vector_load %arg11[%parallel_loop3A_210, %parallel_loop3A_211] {strides = array<i32>} : memref<2x4096xi32, #tpu.memory_space<vmem>>, vector<1x16xi32>,
        %parallel_loop3A_213 = vector.shape_cast %parallel_loop3A_212 : vector<1x16xi32> to vector<16xi32>
        %parallel_loop3A_214 = vector.shape_cast %parallel_loop3A_208 : vector<16xi32> to vector<1x16xi32>
        tpu.vector_store %arg11[%parallel_loop3A_210, %parallel_loop3A_211], %parallel_loop3A_214 {strides = array<i32>} : memref<2x4096xi32, #tpu.memory_space<vmem>>, vector<1x16xi32>,
      } {sc.loop_unroll_factor = 16 : i64, sc.parallel_access}
      %parallel_loop3A_175 = arith.constant 0 : i32
      %parallel_loop3A_176 = arith.constant 4096 : i32
      %parallel_loop3A_177 = arith.constant 16 : i32
      scf.for %parallel_loop3A_189 = %parallel_loop3A_175 to %parallel_loop3A_176 step %parallel_loop3A_177  : i32 {
        %parallel_loop3A_190 = arith.constant 1 : i32
        %parallel_loop3A_191 = arith.index_cast %parallel_loop3A_190 : i32 to index
        %parallel_loop3A_192 = arith.index_cast %parallel_loop3A_189 : i32 to index
        %parallel_loop3A_193 = tpu.vector_load %arg7[%parallel_loop3A_191, %parallel_loop3A_192] {strides = array<i32>} : memref<2x4096xf32, #tpu.memory_space<vmem>>, vector<1x16xf32>,
        %parallel_loop3A_194 = vector.shape_cast %parallel_loop3A_193 : vector<1x16xf32> to vector<16xf32>
        %parallel_loop3A_195 = arith.constant 4.000000e+00 : f32
        %parallel_loop3A_196 = vector.broadcast %parallel_loop3A_195 : f32 to vector<16xf32>
        %parallel_loop3A_197 = arith.mulf %parallel_loop3A_194, %parallel_loop3A_196 : vector<16xf32>
        %parallel_loop3A_198 = arith.constant -1.700000e+01 : f32
        %parallel_loop3A_199 = vector.broadcast %parallel_loop3A_198 : f32 to vector<16xf32>
        %parallel_loop3A_200 = arith.maximumf %parallel_loop3A_197, %parallel_loop3A_199 : vector<16xf32>
        %parallel_loop3A_201 = arith.constant 1.600000e+01 : f32
        %parallel_loop3A_202 = vector.broadcast %parallel_loop3A_201 : f32 to vector<16xf32>
        %parallel_loop3A_203 = arith.minimumf %parallel_loop3A_200, %parallel_loop3A_202 : vector<16xf32>
        %parallel_loop3A_204 = arith.fptosi %parallel_loop3A_203 : vector<16xf32> to vector<16xi32>
        %parallel_loop3A_205 = arith.sitofp %parallel_loop3A_204 : vector<16xi32> to vector<16xf32>
        %parallel_loop3A_206 = arith.cmpf ogt, %parallel_loop3A_205, %parallel_loop3A_203 : vector<16xf32>
        %parallel_loop3A_207 = arith.select %parallel_loop3A_206, %broadcast_in_dim3A_169, %broadcast_in_dim3A_171 : vector<16xi1>, vector<16xi32>
        %parallel_loop3A_208 = arith.addi %parallel_loop3A_204, %parallel_loop3A_207 : vector<16xi32>
        %parallel_loop3A_209 = arith.constant 1 : i32
        %parallel_loop3A_210 = arith.index_cast %parallel_loop3A_209 : i32 to index
        %parallel_loop3A_211 = arith.index_cast %parallel_loop3A_189 : i32 to index
        %parallel_loop3A_212 = tpu.vector_load %arg11[%parallel_loop3A_210, %parallel_loop3A_211] {strides = array<i32>} : memref<2x4096xi32, #tpu.memory_space<vmem>>, vector<1x16xi32>,
        %parallel_loop3A_213 = vector.shape_cast %parallel_loop3A_212 : vector<1x16xi32> to vector<16xi32>
        %parallel_loop3A_214 = vector.shape_cast %parallel_loop3A_208 : vector<16xi32> to vector<1x16xi32>
        tpu.vector_store %arg11[%parallel_loop3A_210, %parallel_loop3A_211], %parallel_loop3A_214 {strides = array<i32>} : memref<2x4096xi32, #tpu.memory_space<vmem>>, vector<1x16xi32>,
      } {sc.loop_unroll_factor = 16 : i64, sc.parallel_access}
      %dma_start3A_178 = arith.constant 0 : i32
      %dma_start3A_179 = tpu.memref_slice %arg3[%add3A_158, %dma_start3A_178] : memref<4096x4096xi32, #tpu.memory_space<hbm>> -> memref<2x4096xi32, #tpu.memory_space<hbm>>
      %dma_start3A_180 = arith.constant 0 : i32
      %dma_start3A_181 = tpu.memref_slice %arg3[%add3A_158, %dma_start3A_180] : memref<4096x4096xi32, #tpu.memory_space<hbm>> -> memref<2x4096xi32, #tpu.memory_space<hbm>>
      tpu.enqueue_dma source(%arg11 : memref<2x4096xi32, #tpu.memory_space<vmem>>) target(%dma_start3A_181 : memref<2x4096xi32, #tpu.memory_space<hbm>>) target_semaphore(%arg19 : memref<!tpu.dma_semaphore, #tpu.memory_space<semaphore_mem>>)
      %add3A_182 = arith.constant 1 : i32
      %add3A_183 = arith.addi %scan3A_61, %add3A_182 : i32
      %lt3A_184 = arith.constant 16 : i32
      %lt3A_185 = arith.cmpi slt, %add3A_183, %lt3A_184 : i32
      %convert_element_type3A_186 = arith.extui %lt3A_185 : i1 to i32
      %cond3A_187 = arith.constant 0 : i32
      %cond3A_188 = arith.cmpi ne, %convert_element_type3A_186, %cond3A_187 : i32
      scf.if %cond3A_188 {
        %add3A_189 = arith.constant 8 : i32
        %add3A_190 = arith.addi %add3A_158, %add3A_189 : i32
        %dma_start3A_191 = arith.constant 0 : i32
        %dma_start3A_192 = tpu.memref_slice %arg2[%add3A_190, %dma_start3A_191] : memref<4096x4096xf32, #tpu.memory_space<hbm>> -> memref<2x4096xf32, #tpu.memory_space<hbm>>
        %dma_start3A_193 = arith.constant 0 : i32
        %dma_start3A_194 = tpu.memref_slice %arg2[%add3A_190, %dma_start3A_193] : memref<4096x4096xf32, #tpu.memory_space<hbm>> -> memref<2x4096xf32, #tpu.memory_space<hbm>>
        tpu.enqueue_dma source(%dma_start3A_194 : memref<2x4096xf32, #tpu.memory_space<hbm>>) target(%arg7 : memref<2x4096xf32, #tpu.memory_space<vmem>>) target_semaphore(%arg15 : memref<!tpu.dma_semaphore, #tpu.memory_space<semaphore_mem>>)
      } else {
      }
    }
    %scan3A_30 = arith.constant 16 : i32
    %add3A_31 = arith.constant 128 : i32
    %add3A_32 = arith.addi %mul3A_2, %add3A_31 : i32
    %sub3A = arith.constant 8 : i32
    %sub3A_33 = arith.subi %add3A_32, %sub3A : i32
    %dma_wait3A = arith.constant 0 : i32
    %dma_wait3A_34 = tpu.memref_slice %arg3[%sub3A_33, %dma_wait3A] : memref<4096x4096xi32, #tpu.memory_space<hbm>> -> memref<2x4096xi32, #tpu.memory_space<hbm>>
    %dma_wait3A_35 = arith.constant 0 : i32
    %dma_wait3A_36 = tpu.memref_slice %arg3[%sub3A_33, %dma_wait3A_35] : memref<4096x4096xi32, #tpu.memory_space<hbm>> -> memref<2x4096xi32, #tpu.memory_space<hbm>>
    tpu.wait_dma2 semaphore(%arg16 : memref<!tpu.dma_semaphore, #tpu.memory_space<semaphore_mem>>) src(%arg8 : memref<2x4096xi32, #tpu.memory_space<vmem>>) dst(%dma_wait3A_36 : memref<2x4096xi32, #tpu.memory_space<hbm>>)
    %add3A_37 = arith.constant 128 : i32
    %add3A_38 = arith.addi %mul3A_2, %add3A_37 : i32
    %sub3A_39 = arith.constant 6 : i32
    %sub3A_40 = arith.subi %add3A_38, %sub3A_39 : i32
    %dma_wait3A_41 = arith.constant 0 : i32
    %dma_wait3A_42 = tpu.memref_slice %arg3[%sub3A_40, %dma_wait3A_41] : memref<4096x4096xi32, #tpu.memory_space<hbm>> -> memref<2x4096xi32, #tpu.memory_space<hbm>>
    %dma_wait3A_43 = arith.constant 0 : i32
    %dma_wait3A_44 = tpu.memref_slice %arg3[%sub3A_40, %dma_wait3A_43] : memref<4096x4096xi32, #tpu.memory_space<hbm>> -> memref<2x4096xi32, #tpu.memory_space<hbm>>
    tpu.wait_dma2 semaphore(%arg17 : memref<!tpu.dma_semaphore, #tpu.memory_space<semaphore_mem>>) src(%arg9 : memref<2x4096xi32, #tpu.memory_space<vmem>>) dst(%dma_wait3A_44 : memref<2x4096xi32, #tpu.memory_space<hbm>>)
    %add3A_45 = arith.constant 128 : i32
    %add3A_46 = arith.addi %mul3A_2, %add3A_45 : i32
    %sub3A_47 = arith.constant 4 : i32
    %sub3A_48 = arith.subi %add3A_46, %sub3A_47 : i32
    %dma_wait3A_49 = arith.constant 0 : i32
    %dma_wait3A_50 = tpu.memref_slice %arg3[%sub3A_48, %dma_wait3A_49] : memref<4096x4096xi32, #tpu.memory_space<hbm>> -> memref<2x4096xi32, #tpu.memory_space<hbm>>
    %dma_wait3A_51 = arith.constant 0 : i32
    %dma_wait3A_52 = tpu.memref_slice %arg3[%sub3A_48, %dma_wait3A_51] : memref<4096x4096xi32, #tpu.memory_space<hbm>> -> memref<2x4096xi32, #tpu.memory_space<hbm>>
    tpu.wait_dma2 semaphore(%arg18 : memref<!tpu.dma_semaphore, #tpu.memory_space<semaphore_mem>>) src(%arg10 : memref<2x4096xi32, #tpu.memory_space<vmem>>) dst(%dma_wait3A_52 : memref<2x4096xi32, #tpu.memory_space<hbm>>)
    %add3A_53 = arith.constant 128 : i32
    %add3A_54 = arith.addi %mul3A_2, %add3A_53 : i32
    %sub3A_55 = arith.constant 2 : i32
    %sub3A_56 = arith.subi %add3A_54, %sub3A_55 : i32
    %dma_wait3A_57 = arith.constant 0 : i32
    %dma_wait3A_58 = tpu.memref_slice %arg3[%sub3A_56, %dma_wait3A_57] : memref<4096x4096xi32, #tpu.memory_space<hbm>> -> memref<2x4096xi32, #tpu.memory_space<hbm>>
    %dma_wait3A_59 = arith.constant 0 : i32
    %dma_wait3A_60 = tpu.memref_slice %arg3[%sub3A_56, %dma_wait3A_59] : memref<4096x4096xi32, #tpu.memory_space<hbm>> -> memref<2x4096xi32, #tpu.memory_space<hbm>>
    tpu.wait_dma2 semaphore(%arg19 : memref<!tpu.dma_semaphore, #tpu.memory_space<semaphore_mem>>) src(%arg11 : memref<2x4096xi32, #tpu.memory_space<vmem>>) dst(%dma_wait3A_60 : memref<2x4096xi32, #tpu.memory_space<hbm>>)
    return
  }
}

</mosaic_0001>

<sc_bundles>
// kernel: kernel.3.cloned.1.call-start
scs
__scs_entry_jumppad:
0x0: {  	(pc) =	sbr.rel $0x88, $3  }
0x1: {  	(tag) =	ssettag $0x0;
	lr =	simm.s32 $0x1  }
0x2: {  	[smem:$0x3FA0] =	sst lr;
	_ =	strace $0xD0000000  }
0x3: {  	_ = 	snop  }
0x4: {  	_ = 	snop  }
0x5: {  	_ = 	snop  }
0x6: {  	_ = 	snop  }
0x7: {  	_ = 	snop  }
__scs_overlays_trampoline_lowered:
0x8: {  	[smem:$0x3FAF] =	sst s0  }
0x9: {  	[smem:$0x3FB0] =	sst s1  }
0xa: {  	[smem:$0x3FB1] =	sst s2  }
0xb: {  	[smem:$0x3FB2] =	sst s3  }
0xc: {  	[smem:$0x3FB3] =	sst s4  }
0xd: {  	[smem:$0x3FB4] =	sst s5  }
0xe: {  	[smem:$0x3FB5] =	sst s6  }
0xf: {  	[smem:$0x3FB6] =	sst s7  }
0x10: {  	[smem:$0x3FB7] =	sst s8  }
0x11: {  	[smem:$0x3FB8] =	sst s9;
	s0 =	simm.s32 @!p0 $0x0  }
0x12: {  	s1 =	sld [smem:$0x3F9E];
	s0 =	simm.s32 @p0 $0x1  }
0x13: {  	[smem:$0x3FB9] =	sst s0;
	s0 =	simm.s32 @!p1 $0x0  }
0x14: {  	s2 =	sld [smem:$0x3F9D];
	s0 =	simm.s32 @p1 $0x1  }
0x15: {  	[smem:$0x3FBA] =	sst s0;
	s0 =	simm.s32 @!p2 $0x0  }
0x16: {  	s3 =	sld [smem:$0x3FDB];
	s0 =	simm.s32 @p2 $0x1  }
0x17: {  	s4 =	simm.s32 $0x1BF5;
	[smem:$0x3FBC] =	sst s0  }
0x18: {  	s0 =	sld [smem:$0x3F9F];
	_ =	swait.ge [sflag:s4], $0x0  }
0x19: {  	s7 =	sld [smem:$0x3FA0]  }
0x1a: {  	s8 =	sadd.s32 $0xFFFFE003, lr  }
0x1b: {  	s9 =	sadd.s32 $0xFFFFFEF7, lr;
	s5 =	simm.s32 $0xFFFFFFFF;
	p2 =	slt.u32 s8, $0xFFFFF086  }
0x1c: {  	p1 =	slt.u32 s9, $0xF7A;
	s5 =	simm.s32 @!p2 $0x0  }
0x1d: {  	s5 =	simm.s32 @p1 $0x1;
	p0 =	seq.s32 s7, s2  }
0x1e: {  	s7 =	smul.u32 @!p0 $0xF7A, s2;
	p2 =	seq.s32 @!p0 s5, $0x0  }
0x1f: {  	s9 =	smul.u32 $0xF7A, s1;
	s8 =	simm.s32 @!p0 $0x1BF5;
	p2 =	por !p2, p0  }
0x20: {  	[sflag:s8] =	ssyncset.s32 @!p0 $0xFFFFF086;
	s6 =	sadd.s32 @!p0 s3, s7;
	s7 =	simm.s32 @!p0 $0x108  }
0x21: {  	s3 =	sadd.s32 s3, s9;
	s6 =	sadd.s32 @!p0 $0x88, s6;
	s7 =	simm.s32 @p2 $0x1082  }
0x22: {  	[simem:s7], [sflag:s8] =	dma.local @!p0 [hbm:s6], $0xF7A  }
0x23: {  	s9 =	sor.u32 $0xD0000000, s2;
	s6 =	simm.s32 $0x108;
	_ =	swait.ge @!p0 [sflag:s8], $0x0  }
0x24: {  	s3 =	sadd.s32 $0x88, s3;
	s6 =	simm.s32 @!p1 $0x1082;
	[sflag:s4] =	ssyncset.s32 $0xFFFFF086  }
0x25: {  	[simem:s6], [sflag:s4] =	dma.local [hbm:s3], $0xF7A  }
0x26: {  	[smem:$0x3FA0] =	sst s1;
	(tag) =	ssettag s2;
	_ =	strace s9  }
0x27: {  	s1 =	sld [smem:$0x3FB0]  }
0x28: {  	s2 =	sld [smem:$0x3FB1]  }
0x29: {  	s4 =	sld [smem:$0x3FB3]  }
0x2a: {  	p0 =	seq.s32 s5, $0x0;
	s5 =	sld [smem:$0x3FB4]  }
0x2b: {  	s6 =	sld [smem:$0x3FB5]  }
0x2c: {  	s7 =	sld [smem:$0x3FB6]  }
0x2d: {  	s3 =	simm.s32 $0x108;
	s8 =	sld [smem:$0x3FB7]  }
0x2e: {  	s3 =	simm.s32 @!p0 $0x1082;
	s9 =	sld [smem:$0x3FB8]  }
0x2f: {  	lr =	sadd.s32 s0, s3;
	s0 =	sld [smem:$0x3FAF]  }
0x30: {  	s3 =	sld [smem:$0x3FB2]  }
0x31: {  	[smem:$0x3FBB] =	sst s10  }
0x32: {  	s10 =	sld [smem:$0x3FB9];
	_ =	sdelay $0x3  }
0x33: {  	p0 =	seq.s32 s10, $0x1;
	s10 =	sld [smem:$0x3FBB];
	_ =	sdelay $0x3  }
0x34: {  	[smem:$0x3FBB] =	sst s10  }
0x35: {  	s10 =	sld [smem:$0x3FBA];
	_ =	sdelay $0x3  }
0x36: {  	p1 =	seq.s32 s10, $0x1;
	s10 =	sld [smem:$0x3FBB];
	_ =	sdelay $0x3  }
0x37: {  	[smem:$0x3FBB] =	sst s10  }
0x38: {  	s10 =	sld [smem:$0x3FBC]  }
0x39: {  	_ = 	snop;
	(pc) =	sbr.ind lr, $3  }
0x3a: {  	_ = 	snop  }
0x3b: {  	_ = 	snop  }
0x3c: {  	p2 =	seq.s32 s10, $0x1;
	s10 =	sld [smem:$0x3FBB]  }
0x3d: {  	_ =	shalt  }
0x3e: {  	_ =	shalt  }
0x3f: {  	_ =	shalt  }
0x40: {  	_ =	shalt  }
0x41: {  	_ =	shalt  }
0x42: {  	_ =	shalt  }
0x43: {  	_ =	shalt  }
0x44: {  	_ =	shalt  }
0x45: {  	_ =	shalt  }
0x46: {  	_ =	shalt  }
0x47: {  	_ =	shalt  }
0x48: {  	_ =	shalt  }
0x49: {  	_ =	shalt  }
0x4a: {  	_ =	shalt  }
0x4b: {  	_ =	shalt  }
0x4c: {  	_ =	shalt  }
0x4d: {  	_ =	shalt  }
0x4e: {  	_ =	shalt  }
0x4f: {  	_ =	shalt  }
0x50: {  	_ =	shalt  }
0x51: {  	_ =	shalt  }
0x52: {  	_ =	shalt  }
0x53: {  	_ =	shalt  }
0x54: {  	_ =	shalt  }
0x55: {  	_ =	shalt  }
0x56: {  	_ =	shalt  }
0x57: {  	_ =	shalt  }
0x58: {  	_ =	shalt  }
0x59: {  	_ =	shalt  }
0x5a: {  	_ =	shalt  }
0x5b: {  	_ =	shalt  }
0x5c: {  	_ =	shalt  }
0x5d: {  	_ =	shalt  }
0x5e: {  	_ =	shalt  }
0x5f: {  	_ =	shalt  }
0x60: {  	_ =	shalt  }
0x61: {  	_ =	shalt  }
0x62: {  	_ =	shalt  }
0x63: {  	_ =	shalt  }
0x64: {  	_ =	shalt  }
0x65: {  	_ =	shalt  }
0x66: {  	_ =	shalt  }
0x67: {  	_ =	shalt  }
0x68: {  	_ =	shalt  }
0x69: {  	_ =	shalt  }
0x6a: {  	_ =	shalt  }
0x6b: {  	_ =	shalt  }
0x6c: {  	_ =	shalt  }
0x6d: {  	_ =	shalt  }
0x6e: {  	_ =	shalt  }
0x6f: {  	_ =	shalt  }
0x70: {  	_ =	shalt  }
0x71: {  	_ =	shalt  }
0x72: {  	_ =	shalt  }
0x73: {  	_ =	shalt  }
0x74: {  	_ =	shalt  }
0x75: {  	_ =	shalt  }
0x76: {  	_ =	shalt  }
0x77: {  	_ =	shalt  }
0x78: {  	_ =	shalt  }
0x79: {  	_ =	shalt  }
0x7a: {  	_ =	shalt  }
0x7b: {  	_ =	shalt  }
0x7c: {  	_ =	shalt  }
0x7d: {  	_ =	shalt  }
0x7e: {  	_ =	shalt  }
0x7f: {  	_ =	shalt  }
0x80: {  	_ =	shalt  }
0x81: {  	_ =	shalt  }
0x82: {  	_ =	shalt  }
0x83: {  	_ =	shalt  }
0x84: {  	_ =	shalt  }
0x85: {  	_ =	shalt  }
0x86: {  	_ =	shalt  }
0x87: {  	_ =	shalt  }
.Lfunc_end0:
.L_simem_size_0:
called_computation_lowered:
.L_overlay_start_0:
0x88: {  	s2 =	sld [smem:$0x3FD9]  }
0x89: {  	s3 =	sld [smem:$0x3FFE];
	_ =	sdelay $0x1  }
0x8a: {  	s1 =	srdreg.scid  }
0x8b: {  	s0 =	sand.u32 $0x1, s1  }
0x8c: {  	s18 =	sshll.u32 s0, $0xA;
	s2 =	sadd.s32 s3, s2  }
0x8d: {  	s2 =	sadd.s32 s2, s18  }
0x8e: {  	[smem:$0x3FC7] =	sst s2  }
0x8f: {  	_ = 	snop  }
0x90: {  	s2 =	sld [smem:$0x3FC9]  }
0x91: {  	s19 =	sld [smem:$0x3FD0];
	(tm) =	ssettm $0x1  }
0x92: {  	s4 =	sld [smem:$0x3FFB];
	_ =	sdelay $0x3  }
0x93: {  	_ =	strace s4  }
0x94: {  	s4 =	sld [smem:$0x3FFC];
	_ =	sdelay $0x3  }
0x95: {  	_ =	strace s4  }
0x96: {  	s4 =	sld [smem:$0x3FFD];
	_ =	sdelay $0x3  }
0x97: {  	_ =	strace s4  }
0x98: {  	_ =	strace $0x8FFFFFFF  }
0x99: {  	s20 =	sld [smem:$0x3FDB];
	_ =	sdelay $0x1  }
0x9a: {  	s5 =	simm.s32 $_scs_section_size  }
0x9b: {  	s6 =	simm.s32 $_size__tile_overlayer_lowered;
	s7 =	simm.s32 $_tile_overlayer_lowered  }
0x9c: {  	s23 =	simm.s32 $0x1BFF;
	s22 =	sshll.u32 s7, $0x1;
	s4 =	sadd.s32 s5, s20  }
0x9d: {  	s8 =	simm.s32 $0x0;
	s21 =	sshll.u32 s6, $0x1;
	s6 =	sadd.s32 s22, s4  }
0x9e: {  	[timem:s8], [sflag:s23] =	dma.local [hbm:s6], s21  }
0x9f: {  	_ =	swait.ge [sflag:s23], s21  }
0xa0: {  	s5 =	ssub.s32 $0x0, s21;
	[sflag:s23] =	ssyncset.done $0x0  }
0xa1: {  	[sflag:s23] =	ssyncadd.s32 s5;
	_ =	sdelay $0x1  }
0xa2: {  	s24 =	simm.s32 $0x1B8B  }
0xa3: {  	_ =	swait.ge [sflag:s24], $0x1  }
0xa4: {  	[sflag:s24] =	ssyncset.done $0x0  }
0xa5: {  	s25 =	simm.s32 $0x1B8E;
	[sflag:s24] =	ssyncadd.s32 $0xFFFFFFFF  }
0xa6: {  	s26 =	simm.s32 $execute0_lowered;
	[smem:$0x3FD2] =	sst s25  }
0xa7: {  	s5 =	sshll.u32 s26, $0x1;
	_ =	strace $0x80000046;
	[dreg:$0x1] =	wrdreg $0xFFFFFFFF  }
0xa8: {  	s28 =	simm.s32 $_size_execute0_lowered;
	s4 =	sadd.s32 s4, s5;
	[dreg:$0x0] =	wrdreg $0x0  }
0xa9: {  	s5 =	sshll.u32 s28, $0x1;
	[dreg:$0x2] =	wrdreg s4  }
0xaa: {  	[dreg:$0x3] =	wrdreg s5  }
0xab: {  	[dreg:$0x4] =	wrdreg $0xC0  }
0xac: {  	_ =	task [dreg:s8], $0x5FFFF  }
0xad: {  	[dreg:$0x1] =	wrdreg $0xFFFFFFFF  }
0xae: {  	[dreg:$0x0] =	wrdreg $0x60  }
0xaf: {  	[dreg:$0x2] =	wrdreg s2  }
0xb0: {  	[dreg:$0x3] =	wrdreg s19  }
0xb1: {  	[dreg:$0x4] =	wrdreg $0x9  }
0xb2: {  	_ =	task.clear_ibuf [dreg:s8], $0x5FFFF;
	_ =	strace $0x90000046  }
0xb3: {  	s29 =	simm.s32 $0x9;
	_ =	strace $0x80000048  }
0xb4: {  	_ =	swait.ge [sflag:s29], $0x1  }
0xb5: {  	[sflag:s29] =	ssyncadd.s32 $0xFFFFFFFF  }
0xb6: {  	_ =	strace $0x90000048  }
0xb7: {  	_ =	sfence  }
0xb8: {  	s30 =	sld [smem:$0x0];
	_ =	sdelay $0x2  }
0xb9: {  	s31 =	sshll.u32 s1, $0xD;
	s1 =	sshrl.u32 s1, $0x2  }
0xba: {  	s3 =	sand.u32 $0x4000, s31;
	s1 =	sadd.s32 s1, s30  }
0xbb: {  	s0 =	sor.u32 s3, s0;
	s1 =	sshll.u32 s1, $0x11  }
0xbc: {  	s0 =	sor.u32 s1, s0  }
0xbd: {  	s0 =	sadd.s32 $0x8F2B, s0  }
0xbe: {  	[sflag:s0] =	ssyncadd.remote.s32 $0x1  }
0xbf: {  	_ =	sfence.sel $0xFFFF  }
0xc0: {  	[dreg:$0x0] =	wrdreg $0xFFFFFFFF;
	(pc) =	sbr.abs _section_cstart, $3  }
0xc1: {  	[dreg:$0x1] =	wrdreg $0xFFFFFFFF  }
0xc2: {  	_ =	task.clear_ibuf [dreg:s8], $0x2FFFF;
	_ =	strace $0x9FFFFFFF  }
0xc3: {  	(tm) =	ssettm $0x7FFFFFFF  }
tec
execute0_lowered:
.L_overlay_start_1:
0x0: {  	(tag) =	ssettag $0x1  }
0x1: {  	s0 =	rddreg [dreg:$0x0]  }
0x2: {  	s2 =	rddreg [dreg:$0x1];
	s1 =	srdreg.scid  }
0x3: {  	s3 =	stileid.u32;
	s5 =	simm.s32 $0x0;
	s17 =	simm.s32 $0x100  }
0x4: {  	s18 =	simm.s32 $0x400;
	s28 =	simm.s32 $0x3;
	s29 =	simm.s32 $0x7  }
0x5: {  	s30 =	simm.s32 $0xC000;
	s31 =	simm.s32 $0x4;
	s1 =	sand.u32 $0x1, s1  }
0x6: {  	s3 =	sshll.u32 s3, $0x11;
	[smem:$0x7FF] =	sst s5;
	s9 =	sadd.s32 $0x1000, s0  }
0x7: {  	s10 =	sadd.s32 $0x20, s2;
	s11 =	sadd.s32 $0x1020, s0;
	s12 =	sadd.s32 $0x40, s2  }
0x8: {  	s13 =	sadd.s32 $0x1040, s0;
	s14 =	sadd.s32 $0x60, s2;
	s4 =	sshll.u32 s1, $0x10  }
0x9: {  	s15 =	sadd.s32 $0x1060, s0;
	s5 =	simm.s32 $0x0;
	s4 =	sor.u32 s4, s3  }
0xa: {  	s1 =	ssub.s32 $0x2, s1;
	_ =	strace $0x80000047;
	s22 =	sadd.s32 s0, s4  }
0xb: {  	s21 =	sshrl.u32 s1, $0x1;
	s23 =	sadd.s32 $0x20, s22;
	[dreg:$0x3] =	wrdreg s22  }
0xc: {  	s1 =	ssub.s32 s1, s21;
	s24 =	sadd.s32 $0x40, s22;
	[dreg:$0x4] =	wrdreg s23  }
0xd: {  	s0 =	simm.s32 $0x8;
	s25 =	sadd.s32 $0x60, s22;
	[dreg:$0x5] =	wrdreg s24  }
0xe: {  	s26 =	smax.u32 s1, $0x1;
	s22 =	simm.s32 $0x1;
	[dreg:$0x6] =	wrdreg s25  }
0xf: {  	s1 =	simm.s32 $0xE000;
	[dreg:$0x7] =	wrdreg s26;
	s23 =	simm.s32 $0x8000  }
0x10: {  	v0 =	vimm.s32 $0x11;
	s24 =	simm.s32 $0x2;
	s25 =	simm.s32 $0x6;
	s26 =	simm.s32 $0xA000  }
.LBB2_1:
0x11: {  	[dreg:$0x8] =	wrdreg s5  }
0x12: {  	s3 =	simm.s32 $0x0;
	s6 =	rddreg [dreg:$0x3]  }
0x13: {  	[tilespmem:s3], [sflag:$0x1] =	stream.strided.gather [hbm4b:s6+s17], $0x2000, s18, s17, $0x38;
	[tilespmem:$0x10000] =	vst v63  }
0x14: {  	s7 =	rddreg [dreg:$0x4];
	s8 =	simm.s32 $0x2000  }
0x15: {  	[tilespmem:s8], [sflag:$0x2] =	stream.strided.gather [hbm4b:s7+s17], $0x2000, s18, s17, $0x38;
	[tilespmem:$0x10000] =	vst v63  }
0x16: {  	s16 =	rddreg [dreg:$0x5];
	s19 =	simm.s32 $0x4000  }
0x17: {  	[tilespmem:s19], [sflag:$0x3] =	stream.strided.gather [hbm4b:s16+s17], $0x2000, s18, s17, $0x38;
	[tilespmem:$0x10000] =	vst v63  }
0x18: {  	s20 =	rddreg [dreg:$0x6];
	s21 =	simm.s32 $0x6000;
	s7 =	simm.s32 $0x0  }
0x19: {  	[tilespmem:s21], [sflag:$0x4] =	stream.strided.gather [hbm4b:s20+s17], $0x2000, s18, s17, $0x38;
	[tilespmem:$0x10000] =	vst v63  }
.LBB2_2:
0x1a: {  	_ =	swait.ge [sflag:s22], $0x2000  }
0x1b: {  	p0 =	seq.s32 s7, $0x0;
	[sflag:s22] =	ssyncset.done $0x0  }
0x1c: {  	s3 =	simm.s32 @!p0 $0x5;
	[sflag:s22] =	ssyncadd.s32 $0xFFFFE000  }
0x1d: {  	_ =	swait.ge @!p0 [sflag:s3], $0x2000  }
0x1e: {  	[sflag:s3] =	ssyncset.done @!p0 $0x0  }
0x1f: {  	s21 =	simm.s32 $0x100;
	[sflag:s3] =	ssyncadd.s32 @!p0 $0xFFFFE000  }
0x20: {  	v1 =	vld [tilespmem:s21+$0x70]  }
0x21: {  	v2 =	vld [tilespmem:s21+$0xFFFFFF10]  }
0x22: {  	v3 =	vld [tilespmem:s21+$0xFFFFFF20]  }
0x23: {  	v4 =	vld [tilespmem:s21+$0xFFFFFF30]  }
0x24: {  	v5 =	vld [tilespmem:s21+$0xFFFFFF40]  }
0x25: {  	v6 =	vld [tilespmem:s21+$0xFFFFFF50]  }
0x26: {  	v8 =	vld [tilespmem:s21+$0xFFFFFF70]  }
0x27: {  	v9 =	vld [tilespmem:s21+$0x0]  }
0x28: {  	v10 =	vld [tilespmem:s21+$0x10]  }
0x29: {  	v12 =	vld [tilespmem:s21+$0x20]  }
0x2a: {  	v14 =	vld [tilespmem:s21+$0x40]  }
0x2b: {  	v15 =	vld [tilespmem:s21+$0xFFFFFF00];
	v1 =	vmul.f32 $4.000000000e+00, v1;
	v2 =	vmul.f32 $4.000000000e+00, v2  }
0x2c: {  	v3 =	vmul.f32 $4.000000000e+00, v3;
	v4 =	vmul.f32 $4.000000000e+00, v4  }
0x2d: {  	v5 =	vmul.f32 $4.000000000e+00, v5;
	v6 =	vmul.f32 $4.000000000e+00, v6  }
0x2e: {  	v8 =	vmul.f32 $4.000000000e+00, v8;
	v9 =	vmul.f32 $4.000000000e+00, v9  }
0x2f: {  	v10 =	vmul.f32 $4.000000000e+00, v10;
	v12 =	vmul.f32 $4.000000000e+00, v12  }
0x30: {  	v14 =	vmul.f32 $4.000000000e+00, v14;
	v15 =	vmul.f32 $4.000000000e+00, v15;
	v1 =	vmax.f32 v1, $-1.700000000e+01  }
0x31: {  	v2 =	vmax.f32 v2, $-1.700000000e+01;
	v3 =	vmax.f32 v3, $-1.700000000e+01;
	v5 =	vmax.f32 v5, $-1.700000000e+01  }
0x32: {  	v6 =	vmax.f32 v6, $-1.700000000e+01;
	v8 =	vmax.f32 v8, $-1.700000000e+01;
	v9 =	vmax.f32 v9, $-1.700000000e+01  }
0x33: {  	v10 =	vmax.f32 v10, $-1.700000000e+01;
	v12 =	vmax.f32 v12, $-1.700000000e+01;
	v14 =	vmax.f32 v14, $-1.700000000e+01  }
0x34: {  	v7 =	vld [tilespmem:s21+$0xFFFFFF60];
	v1 =	vmin.f32 v1, $1.600000000e+01;
	v2 =	vmin.f32 v2, $1.600000000e+01;
	v3 =	vmin.f32 v3, $1.600000000e+01  }
0x35: {  	v5 =	vmin.f32 v5, $1.600000000e+01;
	v6 =	vmin.f32 v6, $1.600000000e+01;
	v8 =	vmin.f32 v8, $1.600000000e+01  }
0x36: {  	v17 =	vmin.f32 v9, $1.600000000e+01;
	v18 =	vmin.f32 v10, $1.600000000e+01;
	v10 =	vmax.f32 v15, $-1.700000000e+01  }
0x37: {  	v19 =	vmin.f32 v12, $1.600000000e+01;
	v11 =	vtrunc.f32 v1;
	v24 =	vtrunc.f32 v8  }
0x38: {  	v21 =	vmin.f32 v14, $1.600000000e+01;
	v25 =	vtrunc.f32 v18;
	v13 =	vcvt.f32.s32 v11  }
0x39: {  	vm0 =	vlt.f32 v1, v11;
	v1 =	vmax.f32 v4, $-1.700000000e+01;
	v4 =	vmul.f32 $4.000000000e+00, v7;
	v7 =	vld [tilespmem:s21+$0x30]  }
0x3a: {  	v26 =	vtrunc.f32 v19;
	v28 =	vtrunc.f32 v21;
	v11 =	vsel vm0, $0x10, v0  }
0x3b: {  	vm10 =	vlt.f32 v8, v24;
	vm12 =	vlt.f32 v18, v25;
	v16 =	vadd.s32 v13, v11;
	v11 =	vld [tilespmem:s21+$0x50]  }
0x3c: {  	vm13 =	vlt.f32 v19, v26;
	v8 =	vcvt.f32.s32 v25;
	vm1 =	vlt.f32 v21, v28;
	v13 =	vld [tilespmem:s21+$0x60]  }
0x3d: {  	v1 =	vmin.f32 v1, $1.600000000e+01;
	v19 =	vsel vm10, $0x10, v0;
	v4 =	vmax.f32 v4, $-1.700000000e+01  }
0x3e: {  	v12 =	vtrunc.f32 v1;
	v4 =	vmin.f32 v4, $1.600000000e+01;
	v7 =	vmul.f32 $4.000000000e+00, v7  }
0x3f: {  	s16 =	simm.s32 $0x8100;
	vm6 =	vlt.f32 v1, v12;
	v1 =	vtrunc.f32 v17;
	v14 =	vcvt.f32.s32 v12  }
0x40: {  	[tilespmem:s16+$0x70] =	vst v16;
	v16 =	vsel vm13, $0x10, v0;
	v7 =	vmax.f32 v7, $-1.700000000e+01;
	v11 =	vmul.f32 $4.000000000e+00, v11  }
0x41: {  	v13 =	vmul.f32 $4.000000000e+00, v13;
	v20 =	vmin.f32 v7, $1.600000000e+01;
	v7 =	vmin.f32 v10, $1.600000000e+01  }
0x42: {  	vm11 =	vlt.f32 v17, v1;
	v11 =	vmax.f32 v11, $-1.700000000e+01;
	v10 =	vtrunc.f32 v7  }
0x43: {  	v9 =	vmax.f32 v13, $-1.700000000e+01;
	v13 =	vtrunc.f32 v6;
	v27 =	vtrunc.f32 v20  }
0x44: {  	v22 =	vmin.f32 v11, $1.600000000e+01;
	v11 =	vtrunc.f32 v2;
	v23 =	vmin.f32 v9, $1.600000000e+01  }
0x45: {  	vm2 =	vlt.f32 v7, v10;
	v7 =	vtrunc.f32 v3;
	vm7 =	vlt.f32 v6, v13  }
0x46: {  	v9 =	vcvt.f32.s32 v10;
	v6 =	vcvt.f32.s32 v26;
	vm4 =	vlt.f32 v2, v11  }
0x47: {  	v2 =	vtrunc.f32 v5;
	vm5 =	vlt.f32 v3, v7;
	v3 =	vtrunc.f32 v4  }
0x48: {  	v17 =	vsel vm12, $0x10, v0;
	v29 =	vtrunc.f32 v22;
	v30 =	vtrunc.f32 v23  }
0x49: {  	v18 =	vsel vm11, $0x10, v0;
	v15 =	vcvt.f32.s32 v11;
	v10 =	vcvt.f32.s32 v7  }
0x4a: {  	vm0 =	vlt.f32 v20, v27;
	v11 =	vcvt.f32.s32 v13;
	v13 =	vcvt.f32.s32 v24  }
0x4b: {  	v25 =	vsel vm2, $0x10, v0;
	vm8 =	vlt.f32 v5, v2;
	v12 =	vcvt.f32.s32 v2  }
0x4c: {  	vm9 =	vlt.f32 v4, v3;
	v7 =	vcvt.f32.s32 v3;
	v5 =	vcvt.f32.s32 v1  }
0x4d: {  	v4 =	vcvt.f32.s32 v27;
	v3 =	vcvt.f32.s32 v28;
	vm3 =	vlt.f32 v22, v29  }
0x4e: {  	v1 =	vcvt.f32.s32 v29;
	vm2 =	vlt.f32 v23, v30;
	v2 =	vcvt.f32.s32 v30  }
0x4f: {  	s8 =	simm.s32 $0x8180;
	s5 =	simm.s32 $0x180;
	v26 =	vsel vm4, $0x10, v0;
	v24 =	vsel vm5, $0x10, v0;
	v23 =	vsel vm6, $0x10, v0  }
0x50: {  	s19 =	simm.s32 $0x300;
	s6 =	simm.s32 $0x8100;
	s3 =	simm.s32 $0x0;
	v22 =	vsel vm7, $0x10, v0;
	v21 =	vsel vm8, $0x10, v0;
	v20 =	vsel vm9, $0x10, v0  }
.LBB2_3:
0x51: {  	v27 =	vld [tilespmem:s19+$0x70];
	s3 =	sadd.s32 $0x100, s3;
	v28 =	vsel vm0, $0x10, v0;
	v29 =	vsel vm1, $0x10, v0;
	v30 =	vsel vm3, $0x10, v0  }
0x52: {  	v9 =	vadd.s32 v9, v25;
	v15 =	vadd.s32 v15, v26;
	v25 =	vsel vm2, $0x10, v0;
	v31 =	vld [tilespmem:s19+$0xFFFFFF10];
	p1 =	slt.u32 s3, $0xF00  }
0x53: {  	v12 =	vadd.s32 v12, v21;
	v26 =	vld [tilespmem:s19+$0xFFFFFF20];
	[tilespmem:s16+$0xFFFFFF00] =	vst v9;
	v9 =	vadd.s32 v10, v24;
	v10 =	vadd.s32 v14, v23  }
0x54: {  	v11 =	vadd.s32 v11, v22;
	v7 =	vadd.s32 v7, v20;
	v13 =	vadd.s32 v13, v19;
	v14 =	vld [tilespmem:s19+$0xFFFFFF30];
	[tilespmem:s16+$0xFFFFFF10] =	vst v15  }
0x55: {  	v5 =	vadd.s32 v5, v18;
	v8 =	vadd.s32 v8, v17;
	v6 =	vadd.s32 v6, v16;
	v15 =	vld [tilespmem:s19+$0xFFFFFF40];
	[tilespmem:s16+$0xFFFFFF20] =	vst v9  }
0x56: {  	v4 =	vadd.s32 v4, v28;
	v3 =	vadd.s32 v3, v29;
	v9 =	vld [tilespmem:s19+$0xFFFFFF50];
	v16 =	vmul.f32 $4.000000000e+00, v27;
	[tilespmem:s16+$0xFFFFFF30] =	vst v10  }
0x57: {  	v1 =	vadd.s32 v1, v30;
	v2 =	vadd.s32 v2, v25;
	v10 =	vmul.f32 $4.000000000e+00, v31;
	v17 =	vld [tilespmem:s19+$0xFFFFFF60];
	[tilespmem:s16+$0xFFFFFF40] =	vst v12  }
0x58: {  	v12 =	vmul.f32 $4.000000000e+00, v26;
	v18 =	vld [tilespmem:s19+$0xFFFFFF70];
	v16 =	vmax.f32 v16, $-1.700000000e+01;
	[tilespmem:s16+$0xFFFFFF50] =	vst v11  }
0x59: {  	v10 =	vmax.f32 v10, $-1.700000000e+01;
	v11 =	vmul.f32 $4.000000000e+00, v14;
	v14 =	vld [tilespmem:s19+$0x0];
	v16 =	vmin.f32 v16, $1.600000000e+01;
	[tilespmem:s16+$0xFFFFFF60] =	vst v7  }
0x5a: {  	v7 =	vmax.f32 v12, $-1.700000000e+01;
	v12 =	vmul.f32 $4.000000000e+00, v15;
	v15 =	vld [tilespmem:s19+$0x10];
	v19 =	vtrunc.f32 v16;
	[tilespmem:s16+$0xFFFFFF70] =	vst v13  }
0x5b: {  	v9 =	vmul.f32 $4.000000000e+00, v9;
	v13 =	vld [tilespmem:s19+$0x20];
	v20 =	vcvt.f32.s32 v19;
	vm0 =	vlt.f32 v16, v19;
	[tilespmem:s16+$0x0] =	vst v5  }
0x5c: {  	v5 =	vmax.f32 v11, $-1.700000000e+01;
	v11 =	vmul.f32 $4.000000000e+00, v17;
	v16 =	vld [tilespmem:s19+$0x30];
	v17 =	vsel vm0, $0x10, v0;
	[tilespmem:s16+$0x10] =	vst v8  }
0x5d: {  	v8 =	vmax.f32 v12, $-1.700000000e+01;
	s16 =	sadd.s32 $0x200, s16;
	v12 =	vmul.f32 $4.000000000e+00, v18;
	v18 =	vld [tilespmem:s19+$0x40];
	v17 =	vadd.s32 v20, v17;
	[tilespmem:s6+$0x20] =	vst v6  }
0x5e: {  	v6 =	vmax.f32 v9, $-1.700000000e+01;
	v9 =	vmax.f32 v11, $-1.700000000e+01;
	v11 =	vmul.f32 $4.000000000e+00, v14;
	v14 =	vld [tilespmem:s19+$0x50];
	[tilespmem:s16+$0x70] =	vst v17  }
0x5f: {  	v10 =	vmin.f32 v10, $1.600000000e+01;
	v12 =	vmax.f32 v12, $-1.700000000e+01;
	v15 =	vmul.f32 $4.000000000e+00, v15;
	v17 =	vld [tilespmem:s19+$0x60];
	[tilespmem:s6+$0x30] =	vst v4  }
0x60: {  	v7 =	vmin.f32 v7, $1.600000000e+01;
	v4 =	vld [tilespmem:s19+$0xFFFFFF00];
	v11 =	vmax.f32 v11, $-1.700000000e+01;
	v13 =	vmul.f32 $4.000000000e+00, v13;
	[tilespmem:s6+$0x40] =	vst v3  }
0x61: {  	v3 =	vmin.f32 v5, $1.600000000e+01;
	v5 =	vmax.f32 v15, $-1.700000000e+01;
	v15 =	vmul.f32 $4.000000000e+00, v16;
	[tilespmem:s6+$0x50] =	vst v1  }
0x62: {  	v1 =	vmin.f32 v8, $1.600000000e+01;
	v8 =	vmax.f32 v13, $-1.700000000e+01;
	v13 =	vmul.f32 $4.000000000e+00, v18;
	[tilespmem:s6+$0x60] =	vst v2;
	s6 =	smov.u32 s16  }
0x63: {  	v2 =	vmin.f32 v6, $1.600000000e+01;
	v6 =	vmax.f32 v15, $-1.700000000e+01;
	v14 =	vmul.f32 $4.000000000e+00, v14  }
0x64: {  	v15 =	vmin.f32 v9, $1.600000000e+01;
	v9 =	vmax.f32 v13, $-1.700000000e+01;
	v13 =	vmul.f32 $4.000000000e+00, v17  }
0x65: {  	v12 =	vmin.f32 v12, $1.600000000e+01;
	v4 =	vmul.f32 $4.000000000e+00, v4;
	v14 =	vmax.f32 v14, $-1.700000000e+01  }
0x66: {  	v11 =	vmin.f32 v11, $1.600000000e+01;
	v5 =	vmin.f32 v5, $1.600000000e+01;
	v13 =	vmax.f32 v13, $-1.700000000e+01  }
0x67: {  	v8 =	vmin.f32 v8, $1.600000000e+01;
	v16 =	vmin.f32 v6, $1.600000000e+01;
	v4 =	vmax.f32 v4, $-1.700000000e+01  }
0x68: {  	v17 =	vmin.f32 v9, $1.600000000e+01;
	v18 =	vmin.f32 v14, $1.600000000e+01;
	v4 =	vmin.f32 v4, $1.600000000e+01  }
0x69: {  	v14 =	vtrunc.f32 v10;
	v19 =	vmin.f32 v13, $1.600000000e+01;
	v6 =	vtrunc.f32 v4  }
0x6a: {  	v13 =	vtrunc.f32 v3;
	vm2 =	vlt.f32 v4, v6;
	v4 =	vtrunc.f32 v7  }
0x6b: {  	v20 =	vtrunc.f32 v1;
	v21 =	vtrunc.f32 v2;
	vm4 =	vlt.f32 v10, v14  }
0x6c: {  	v22 =	vtrunc.f32 v12;
	vm5 =	vlt.f32 v7, v4;
	v7 =	vtrunc.f32 v15  }
0x6d: {  	v23 =	vtrunc.f32 v5;
	vm6 =	vlt.f32 v3, v13;
	v3 =	vtrunc.f32 v11  }
0x6e: {  	vm7 =	vlt.f32 v1, v20;
	v1 =	vtrunc.f32 v8;
	v24 =	vtrunc.f32 v16  }
0x6f: {  	vm8 =	vlt.f32 v2, v21;
	v2 =	vtrunc.f32 v17;
	v25 =	vtrunc.f32 v18  }
0x70: {  	v27 =	vtrunc.f32 v19;
	v9 =	vcvt.f32.s32 v6;
	vm9 =	vlt.f32 v15, v7  }
0x71: {  	vm10 =	vlt.f32 v12, v22;
	v10 =	vcvt.f32.s32 v4;
	v15 =	vcvt.f32.s32 v14  }
0x72: {  	v12 =	vcvt.f32.s32 v20;
	vm11 =	vlt.f32 v11, v3;
	v14 =	vcvt.f32.s32 v13  }
0x73: {  	vm12 =	vlt.f32 v5, v23;
	v11 =	vcvt.f32.s32 v21;
	v7 =	vcvt.f32.s32 v7  }
0x74: {  	vm13 =	vlt.f32 v8, v1;
	v5 =	vcvt.f32.s32 v3;
	v13 =	vcvt.f32.s32 v22  }
0x75: {  	v8 =	vcvt.f32.s32 v23;
	vm0 =	vlt.f32 v16, v24;
	v6 =	vcvt.f32.s32 v1  }
0x76: {  	vm1 =	vlt.f32 v17, v2;
	v3 =	vcvt.f32.s32 v2;
	v4 =	vcvt.f32.s32 v24  }
.Ltmp0:
0x77: {  	vm3 =	vlt.f32 v18, v25;
	v2 =	vcvt.f32.s32 v27;
	v1 =	vcvt.f32.s32 v25;
	(pc) =	sbr.rel @p1 .LBB2_3-.Ltmp0, $4  }
0x78: {  	v26 =	vsel vm4, $0x10, v0;
	v25 =	vsel vm2, $0x10, v0;
	vm2 =	vlt.f32 v19, v27  }
0x79: {  	v23 =	vsel vm6, $0x10, v0;
	v21 =	vsel vm7, $0x10, v0;
	v24 =	vsel vm5, $0x10, v0  }
0x7a: {  	v19 =	vsel vm10, $0x10, v0;
	v22 =	vsel vm8, $0x10, v0;
	v20 =	vsel vm9, $0x10, v0  }
0x7b: {  	s19 =	sadd.s32 $0x200, s19;
	v16 =	vsel vm13, $0x10, v0;
	v17 =	vsel vm12, $0x10, v0;
	v18 =	vsel vm11, $0x10, v0  }
0x7c: {  	v9 =	vadd.s32 v9, v25  }
0x7d: {  	v15 =	vadd.s32 v15, v26;
	[tilespmem:s16+$0xFFFFFF00] =	vst v9  }
0x7e: {  	v7 =	vadd.s32 v7, v20;
	[tilespmem:s16+$0xFFFFFF10] =	vst v15  }
0x7f: {  	v5 =	vadd.s32 v5, v18;
	[tilespmem:s16+$0xFFFFFF60] =	vst v7  }
0x80: {  	v6 =	vadd.s32 v6, v16;
	[tilespmem:s16+$0x0] =	vst v5  }
0x81: {  	v9 =	vadd.s32 v10, v24;
	[tilespmem:s6+$0x20] =	vst v6  }
0x82: {  	v10 =	vadd.s32 v14, v23;
	[tilespmem:s16+$0xFFFFFF20] =	vst v9  }
0x83: {  	v7 =	vadd.s32 v8, v17;
	[tilespmem:s16+$0xFFFFFF30] =	vst v10  }
0x84: {  	v9 =	vadd.s32 v12, v21;
	[tilespmem:s16+$0x10] =	vst v7  }
0x85: {  	v5 =	vsel vm0, $0x10, v0;
	v10 =	vadd.s32 v11, v22;
	[tilespmem:s16+$0xFFFFFF40] =	vst v9  }
0x86: {  	v4 =	vadd.s32 v4, v5;
	[tilespmem:s16+$0xFFFFFF50] =	vst v10  }
0x87: {  	v7 =	vsel vm1, $0x10, v0;
	v9 =	vadd.s32 v13, v19;
	[tilespmem:s6+$0x30] =	vst v4  }
0x88: {  	v5 =	vsel vm3, $0x10, v0;
	v3 =	vadd.s32 v3, v7;
	[tilespmem:s16+$0xFFFFFF70] =	vst v9  }
0x89: {  	v4 =	vsel vm2, $0x10, v0;
	v1 =	vadd.s32 v1, v5;
	[tilespmem:s6+$0x40] =	vst v3  }
0x8a: {  	v2 =	vadd.s32 v2, v4;
	[tilespmem:s6+$0x50] =	vst v1  }
0x8b: {  	[tilespmem:s6+$0x60] =	vst v2  }
0x8c: {  	v1 =	vld [tilespmem:s5+$0x70]  }
0x8d: {  	v2 =	vld [tilespmem:s5+$0xFFFFFF10]  }
0x8e: {  	v3 =	vld [tilespmem:s5+$0xFFFFFF20]  }
0x8f: {  	v4 =	vld [tilespmem:s5+$0xFFFFFF30]  }
0x90: {  	v5 =	vld [tilespmem:s5+$0xFFFFFF40]  }
0x91: {  	v6 =	vld [tilespmem:s5+$0xFFFFFF50]  }
0x92: {  	v8 =	vld [tilespmem:s5+$0xFFFFFF70]  }
0x93: {  	v9 =	vld [tilespmem:s5+$0x0]  }
0x94: {  	v10 =	vld [tilespmem:s5+$0x10]  }
0x95: {  	v12 =	vld [tilespmem:s5+$0x20]  }
0x96: {  	v14 =	vld [tilespmem:s5+$0x40]  }
0x97: {  	v15 =	vld [tilespmem:s5+$0xFFFFFF00];
	v1 =	vmul.f32 $4.000000000e+00, v1;
	v2 =	vmul.f32 $4.000000000e+00, v2  }
0x98: {  	v3 =	vmul.f32 $4.000000000e+00, v3;
	v4 =	vmul.f32 $4.000000000e+00, v4  }
0x99: {  	v5 =	vmul.f32 $4.000000000e+00, v5;
	v6 =	vmul.f32 $4.000000000e+00, v6  }
0x9a: {  	v8 =	vmul.f32 $4.000000000e+00, v8;
	v9 =	vmul.f32 $4.000000000e+00, v9  }
0x9b: {  	v10 =	vmul.f32 $4.000000000e+00, v10;
	v12 =	vmul.f32 $4.000000000e+00, v12  }
0x9c: {  	v14 =	vmul.f32 $4.000000000e+00, v14;
	v15 =	vmul.f32 $4.000000000e+00, v15;
	v1 =	vmax.f32 v1, $-1.700000000e+01  }
0x9d: {  	v2 =	vmax.f32 v2, $-1.700000000e+01;
	v3 =	vmax.f32 v3, $-1.700000000e+01;
	v5 =	vmax.f32 v5, $-1.700000000e+01  }
0x9e: {  	v6 =	vmax.f32 v6, $-1.700000000e+01;
	v8 =	vmax.f32 v8, $-1.700000000e+01;
	v9 =	vmax.f32 v9, $-1.700000000e+01  }
0x9f: {  	v10 =	vmax.f32 v10, $-1.700000000e+01;
	v12 =	vmax.f32 v12, $-1.700000000e+01;
	v14 =	vmax.f32 v14, $-1.700000000e+01  }
0xa0: {  	v7 =	vld [tilespmem:s5+$0xFFFFFF60];
	v1 =	vmin.f32 v1, $1.600000000e+01;
	v2 =	vmin.f32 v2, $1.600000000e+01;
	v3 =	vmin.f32 v3, $1.600000000e+01  }
0xa1: {  	v5 =	vmin.f32 v5, $1.600000000e+01;
	v6 =	vmin.f32 v6, $1.600000000e+01;
	v8 =	vmin.f32 v8, $1.600000000e+01  }
0xa2: {  	v17 =	vmin.f32 v9, $1.600000000e+01;
	v18 =	vmin.f32 v10, $1.600000000e+01;
	v10 =	vmax.f32 v15, $-1.700000000e+01  }
0xa3: {  	v19 =	vmin.f32 v12, $1.600000000e+01;
	v11 =	vtrunc.f32 v1;
	v24 =	vtrunc.f32 v8  }
0xa4: {  	v21 =	vmin.f32 v14, $1.600000000e+01;
	v25 =	vtrunc.f32 v18;
	v13 =	vcvt.f32.s32 v11  }
0xa5: {  	vm0 =	vlt.f32 v1, v11;
	v1 =	vmax.f32 v4, $-1.700000000e+01;
	v4 =	vmul.f32 $4.000000000e+00, v7;
	v7 =	vld [tilespmem:s5+$0x30]  }
0xa6: {  	v26 =	vtrunc.f32 v19;
	v28 =	vtrunc.f32 v21;
	v11 =	vsel vm0, $0x10, v0  }
0xa7: {  	vm10 =	vlt.f32 v8, v24;
	vm12 =	vlt.f32 v18, v25;
	v16 =	vadd.s32 v13, v11;
	v11 =	vld [tilespmem:s5+$0x50]  }
0xa8: {  	vm13 =	vlt.f32 v19, v26;
	v8 =	vcvt.f32.s32 v25;
	vm1 =	vlt.f32 v21, v28;
	v13 =	vld [tilespmem:s5+$0x60]  }
0xa9: {  	v1 =	vmin.f32 v1, $1.600000000e+01;
	v19 =	vsel vm10, $0x10, v0;
	v4 =	vmax.f32 v4, $-1.700000000e+01  }
0xaa: {  	v12 =	vtrunc.f32 v1;
	v4 =	vmin.f32 v4, $1.600000000e+01;
	v7 =	vmul.f32 $4.000000000e+00, v7  }
0xab: {  	vm6 =	vlt.f32 v1, v12;
	v1 =	vtrunc.f32 v17;
	v14 =	vcvt.f32.s32 v12  }
0xac: {  	[tilespmem:s8+$0x70] =	vst v16;
	v16 =	vsel vm13, $0x10, v0;
	v7 =	vmax.f32 v7, $-1.700000000e+01;
	v11 =	vmul.f32 $4.000000000e+00, v11  }
0xad: {  	v13 =	vmul.f32 $4.000000000e+00, v13;
	v20 =	vmin.f32 v7, $1.600000000e+01;
	v7 =	vmin.f32 v10, $1.600000000e+01  }
0xae: {  	vm11 =	vlt.f32 v17, v1;
	v11 =	vmax.f32 v11, $-1.700000000e+01;
	v10 =	vtrunc.f32 v7  }
0xaf: {  	v9 =	vmax.f32 v13, $-1.700000000e+01;
	v13 =	vtrunc.f32 v6;
	v27 =	vtrunc.f32 v20  }
0xb0: {  	v22 =	vmin.f32 v11, $1.600000000e+01;
	v11 =	vtrunc.f32 v2;
	v23 =	vmin.f32 v9, $1.600000000e+01  }
0xb1: {  	vm2 =	vlt.f32 v7, v10;
	v7 =	vtrunc.f32 v3;
	vm8 =	vlt.f32 v6, v13  }
0xb2: {  	v9 =	vcvt.f32.s32 v10;
	v6 =	vcvt.f32.s32 v26;
	vm4 =	vlt.f32 v2, v11  }
0xb3: {  	v2 =	vtrunc.f32 v5;
	vm5 =	vlt.f32 v3, v7;
	v3 =	vtrunc.f32 v4  }
0xb4: {  	v17 =	vsel vm12, $0x10, v0;
	v29 =	vtrunc.f32 v22;
	v30 =	vtrunc.f32 v23  }
0xb5: {  	v18 =	vsel vm11, $0x10, v0;
	v15 =	vcvt.f32.s32 v11;
	v10 =	vcvt.f32.s32 v7  }
0xb6: {  	vm0 =	vlt.f32 v20, v27;
	v11 =	vcvt.f32.s32 v13;
	v13 =	vcvt.f32.s32 v24  }
0xb7: {  	v25 =	vsel vm2, $0x10, v0;
	v21 =	vsel vm8, $0x10, v0;
	v12 =	vcvt.f32.s32 v2  }
0xb8: {  	vm7 =	vlt.f32 v5, v2;
	v7 =	vcvt.f32.s32 v3;
	v5 =	vcvt.f32.s32 v1  }
0xb9: {  	vm9 =	vlt.f32 v4, v3;
	v4 =	vcvt.f32.s32 v27;
	v3 =	vcvt.f32.s32 v28  }
0xba: {  	vm3 =	vlt.f32 v22, v29;
	v1 =	vcvt.f32.s32 v29;
	vm2 =	vlt.f32 v23, v30  }
0xbb: {  	v2 =	vcvt.f32.s32 v30;
	v26 =	vsel vm4, $0x10, v0;
	v24 =	vsel vm5, $0x10, v0  }
0xbc: {  	s3 =	simm.s32 $0x0;
	s6 =	simm.s32 $0x380;
	s5 =	simm.s32 $0x8180;
	v23 =	vsel vm6, $0x10, v0;
	v22 =	vsel vm7, $0x10, v0;
	v20 =	vsel vm9, $0x10, v0  }
.LBB2_5:
0xbd: {  	v27 =	vld [tilespmem:s6+$0x70];
	s3 =	sadd.s32 $0x100, s3;
	v28 =	vsel vm0, $0x10, v0;
	v29 =	vsel vm1, $0x10, v0;
	v30 =	vsel vm3, $0x10, v0  }
0xbe: {  	v9 =	vadd.s32 v9, v25;
	v15 =	vadd.s32 v15, v26;
	v25 =	vsel vm2, $0x10, v0;
	v31 =	vld [tilespmem:s6+$0xFFFFFF10];
	p1 =	slt.u32 s3, $0xF00  }
0xbf: {  	v12 =	vadd.s32 v12, v22;
	v26 =	vld [tilespmem:s6+$0xFFFFFF20];
	[tilespmem:s8+$0xFFFFFF00] =	vst v9;
	v9 =	vadd.s32 v10, v24;
	v10 =	vadd.s32 v14, v23  }
0xc0: {  	v11 =	vadd.s32 v11, v21;
	v7 =	vadd.s32 v7, v20;
	v13 =	vadd.s32 v13, v19;
	v14 =	vld [tilespmem:s6+$0xFFFFFF30];
	[tilespmem:s8+$0xFFFFFF10] =	vst v15  }
0xc1: {  	v5 =	vadd.s32 v5, v18;
	v8 =	vadd.s32 v8, v17;
	v6 =	vadd.s32 v6, v16;
	v15 =	vld [tilespmem:s6+$0xFFFFFF40];
	[tilespmem:s8+$0xFFFFFF20] =	vst v9  }
0xc2: {  	v4 =	vadd.s32 v4, v28;
	v3 =	vadd.s32 v3, v29;
	v9 =	vld [tilespmem:s6+$0xFFFFFF50];
	v16 =	vmul.f32 $4.000000000e+00, v27;
	[tilespmem:s8+$0xFFFFFF30] =	vst v10  }
0xc3: {  	v1 =	vadd.s32 v1, v30;
	v2 =	vadd.s32 v2, v25;
	v10 =	vmul.f32 $4.000000000e+00, v31;
	v17 =	vld [tilespmem:s6+$0xFFFFFF60];
	[tilespmem:s8+$0xFFFFFF40] =	vst v12  }
0xc4: {  	v12 =	vmul.f32 $4.000000000e+00, v26;
	v18 =	vld [tilespmem:s6+$0xFFFFFF70];
	v16 =	vmax.f32 v16, $-1.700000000e+01;
	[tilespmem:s8+$0xFFFFFF50] =	vst v11  }
0xc5: {  	v10 =	vmax.f32 v10, $-1.700000000e+01;
	v11 =	vmul.f32 $4.000000000e+00, v14;
	v14 =	vld [tilespmem:s6+$0x0];
	v16 =	vmin.f32 v16, $1.600000000e+01;
	[tilespmem:s8+$0xFFFFFF60] =	vst v7  }
0xc6: {  	v7 =	vmax.f32 v12, $-1.700000000e+01;
	v12 =	vmul.f32 $4.000000000e+00, v15;
	v15 =	vld [tilespmem:s6+$0x10];
	v19 =	vtrunc.f32 v16;
	[tilespmem:s8+$0xFFFFFF70] =	vst v13  }
0xc7: {  	v9 =	vmul.f32 $4.000000000e+00, v9;
	v13 =	vld [tilespmem:s6+$0x20];
	v20 =	vcvt.f32.s32 v19;
	vm0 =	vlt.f32 v16, v19;
	[tilespmem:s8+$0x0] =	vst v5  }
0xc8: {  	v5 =	vmax.f32 v11, $-1.700000000e+01;
	v11 =	vmul.f32 $4.000000000e+00, v17;
	v16 =	vld [tilespmem:s6+$0x30];
	v17 =	vsel vm0, $0x10, v0;
	[tilespmem:s8+$0x10] =	vst v8  }
0xc9: {  	v8 =	vmax.f32 v12, $-1.700000000e+01;
	s8 =	sadd.s32 $0x200, s8;
	v12 =	vmul.f32 $4.000000000e+00, v18;
	v18 =	vld [tilespmem:s6+$0x40];
	v17 =	vadd.s32 v20, v17;
	[tilespmem:s5+$0x20] =	vst v6  }
0xca: {  	v6 =	vmax.f32 v9, $-1.700000000e+01;
	v9 =	vmax.f32 v11, $-1.700000000e+01;
	v11 =	vmul.f32 $4.000000000e+00, v14;
	v14 =	vld [tilespmem:s6+$0x50];
	[tilespmem:s8+$0x70] =	vst v17  }
0xcb: {  	v10 =	vmin.f32 v10, $1.600000000e+01;
	v12 =	vmax.f32 v12, $-1.700000000e+01;
	v15 =	vmul.f32 $4.000000000e+00, v15;
	v17 =	vld [tilespmem:s6+$0x60];
	[tilespmem:s5+$0x30] =	vst v4  }
0xcc: {  	v7 =	vmin.f32 v7, $1.600000000e+01;
	v4 =	vld [tilespmem:s6+$0xFFFFFF00];
	v11 =	vmax.f32 v11, $-1.700000000e+01;
	v13 =	vmul.f32 $4.000000000e+00, v13;
	[tilespmem:s5+$0x40] =	vst v3  }
0xcd: {  	v3 =	vmin.f32 v5, $1.600000000e+01;
	v5 =	vmax.f32 v15, $-1.700000000e+01;
	v15 =	vmul.f32 $4.000000000e+00, v16;
	[tilespmem:s5+$0x50] =	vst v1  }
0xce: {  	v1 =	vmin.f32 v8, $1.600000000e+01;
	v8 =	vmax.f32 v13, $-1.700000000e+01;
	v13 =	vmul.f32 $4.000000000e+00, v18;
	[tilespmem:s5+$0x60] =	vst v2;
	s5 =	smov.u32 s8  }
0xcf: {  	v2 =	vmin.f32 v6, $1.600000000e+01;
	v6 =	vmax.f32 v15, $-1.700000000e+01;
	v14 =	vmul.f32 $4.000000000e+00, v14  }
0xd0: {  	v15 =	vmin.f32 v9, $1.600000000e+01;
	v9 =	vmax.f32 v13, $-1.700000000e+01;
	v13 =	vmul.f32 $4.000000000e+00, v17  }
0xd1: {  	v12 =	vmin.f32 v12, $1.600000000e+01;
	v4 =	vmul.f32 $4.000000000e+00, v4;
	v14 =	vmax.f32 v14, $-1.700000000e+01  }
0xd2: {  	v11 =	vmin.f32 v11, $1.600000000e+01;
	v5 =	vmin.f32 v5, $1.600000000e+01;
	v13 =	vmax.f32 v13, $-1.700000000e+01  }
0xd3: {  	v8 =	vmin.f32 v8, $1.600000000e+01;
	v16 =	vmin.f32 v6, $1.600000000e+01;
	v4 =	vmax.f32 v4, $-1.700000000e+01  }
0xd4: {  	v17 =	vmin.f32 v9, $1.600000000e+01;
	v18 =	vmin.f32 v14, $1.600000000e+01;
	v4 =	vmin.f32 v4, $1.600000000e+01  }
0xd5: {  	v14 =	vtrunc.f32 v10;
	v19 =	vmin.f32 v13, $1.600000000e+01;
	v6 =	vtrunc.f32 v4  }
0xd6: {  	v13 =	vtrunc.f32 v3;
	vm2 =	vlt.f32 v4, v6;
	v4 =	vtrunc.f32 v7  }
0xd7: {  	v20 =	vtrunc.f32 v1;
	v21 =	vtrunc.f32 v2;
	vm4 =	vlt.f32 v10, v14  }
0xd8: {  	v22 =	vtrunc.f32 v12;
	vm5 =	vlt.f32 v7, v4;
	v7 =	vtrunc.f32 v15  }
0xd9: {  	v23 =	vtrunc.f32 v5;
	vm6 =	vlt.f32 v3, v13;
	v3 =	vtrunc.f32 v11  }
0xda: {  	vm7 =	vlt.f32 v1, v20;
	v1 =	vtrunc.f32 v8;
	v24 =	vtrunc.f32 v16  }
0xdb: {  	vm8 =	vlt.f32 v2, v21;
	v2 =	vtrunc.f32 v17;
	v25 =	vtrunc.f32 v18  }
0xdc: {  	v27 =	vtrunc.f32 v19;
	v9 =	vcvt.f32.s32 v6;
	vm9 =	vlt.f32 v15, v7  }
0xdd: {  	vm10 =	vlt.f32 v12, v22;
	v10 =	vcvt.f32.s32 v4;
	v15 =	vcvt.f32.s32 v14  }
0xde: {  	v12 =	vcvt.f32.s32 v20;
	vm11 =	vlt.f32 v11, v3;
	v14 =	vcvt.f32.s32 v13  }
0xdf: {  	vm12 =	vlt.f32 v5, v23;
	v11 =	vcvt.f32.s32 v21;
	v7 =	vcvt.f32.s32 v7  }
0xe0: {  	vm13 =	vlt.f32 v8, v1;
	v5 =	vcvt.f32.s32 v3;
	v13 =	vcvt.f32.s32 v22  }
0xe1: {  	v8 =	vcvt.f32.s32 v23;
	vm0 =	vlt.f32 v16, v24;
	v6 =	vcvt.f32.s32 v1  }
0xe2: {  	vm1 =	vlt.f32 v17, v2;
	v3 =	vcvt.f32.s32 v2;
	v4 =	vcvt.f32.s32 v24  }
.Ltmp1:
0xe3: {  	vm3 =	vlt.f32 v18, v25;
	v2 =	vcvt.f32.s32 v27;
	v1 =	vcvt.f32.s32 v25;
	(pc) =	sbr.rel @p1 .LBB2_5-.Ltmp1, $4  }
0xe4: {  	v26 =	vsel vm4, $0x10, v0;
	v25 =	vsel vm2, $0x10, v0;
	vm2 =	vlt.f32 v19, v27  }
0xe5: {  	v23 =	vsel vm6, $0x10, v0;
	v24 =	vsel vm5, $0x10, v0;
	v22 =	vsel vm7, $0x10, v0  }
0xe6: {  	v21 =	vsel vm8, $0x10, v0;
	v19 =	vsel vm10, $0x10, v0;
	v20 =	vsel vm9, $0x10, v0  }
0xe7: {  	s6 =	sadd.s32 $0x200, s6;
	v16 =	vsel vm13, $0x10, v0;
	v17 =	vsel vm12, $0x10, v0;
	v18 =	vsel vm11, $0x10, v0  }
0xe8: {  	v9 =	vadd.s32 v9, v25  }
0xe9: {  	v15 =	vadd.s32 v15, v26;
	[tilespmem:s8+$0xFFFFFF00] =	vst v9  }
0xea: {  	v54 =	vadd.s32 v10, v24;
	[tilespmem:s8+$0xFFFFFF10] =	vst v15  }
0xeb: {  	v55 =	vadd.s32 v14, v23;
	[tilespmem:s8+$0xFFFFFF20] =	vst v54  }
0xec: {  	v56 =	vadd.s32 v12, v22;
	[tilespmem:s8+$0xFFFFFF30] =	vst v55  }
0xed: {  	v57 =	vadd.s32 v11, v21;
	[tilespmem:s8+$0xFFFFFF40] =	vst v56  }
0xee: {  	v7 =	vadd.s32 v7, v20;
	[tilespmem:s8+$0xFFFFFF50] =	vst v57  }
0xef: {  	v58 =	vadd.s32 v13, v19;
	[tilespmem:s8+$0xFFFFFF60] =	vst v7  }
0xf0: {  	v5 =	vadd.s32 v5, v18;
	[tilespmem:s8+$0xFFFFFF70] =	vst v58  }
0xf1: {  	v59 =	vadd.s32 v8, v17;
	[tilespmem:s8+$0x0] =	vst v5  }
0xf2: {  	v60 =	vsel vm0, $0x10, v0;
	v6 =	vadd.s32 v6, v16;
	[tilespmem:s8+$0x10] =	vst v59  }
0xf3: {  	v61 =	vsel vm1, $0x10, v0;
	p1 =	sne.s32 s7, $0xF;
	v4 =	vadd.s32 v4, v60;
	[tilespmem:s5+$0x20] =	vst v6  }
.Ltmp2:
0xf4: {  	v62 =	vsel vm3, $0x10, v0;
	v3 =	vadd.s32 v3, v61;
	[tilespmem:s5+$0x30] =	vst v4;
	(pc) =	sbr.rel @p1 .LBB2_8-.Ltmp2, $4  }
0xf5: {  	v63 =	vsel vm2, $0x10, v0;
	s3 =	sshll.u32 s7, $0xC;
	v1 =	vadd.s32 v1, v62;
	[tilespmem:s5+$0x40] =	vst v3  }
0xf6: {  	v2 =	vadd.s32 v2, v63;
	s8 =	sadd.s32 s4, s3;
	[tilespmem:s5+$0x50] =	vst v1  }
0xf7: {  	[tilespmem:s5+$0x60] =	vst v2;
	s3 =	sadd.s32 s2, s8  }
0xf8: {  	[hbm4b:s3+s17] =	stream.strided.scatter [tilespmem:s23], [sflag:$0x5], $0x2000, s18, s17, $0x38;
	[tilespmem:$0x10000] =	vst v63  }
.Ltmp3:
0xf9: {  	(pc) =	sbr.rel .LBB2_9-.Ltmp3, $4  }
0xfa: {  	_ = 	snop  }
0xfb: {  	_ =	swait.ge [sflag:s24], $0x2000  }
0xfc: {  	[sflag:s24] =	ssyncset.done $0x0  }
0xfd: {  	[sflag:s24] =	ssyncadd.s32 $0xFFFFE000  }
.LBB2_8:
.Ltmp4:
0xfe: {  	s3 =	sadd.s32 s8, s9;
	s5 =	simm.s32 $0x0;
	(pc) =	sbr.rel @p0 .LBB2_10-.Ltmp4, $4  }
0xff: {  	[tilespmem:s5], [sflag:$0x1] =	stream.strided.gather [hbm4b:s3+s17], $0x2000, s18, s17, $0x38;
	[tilespmem:$0x10000] =	vst v63  }
0x100: {  	_ =	swait.ge [sflag:s24], $0x2000  }
0x101: {  	[sflag:s24] =	ssyncset.done $0x0  }
0x102: {  	[sflag:s24] =	ssyncadd.s32 $0xFFFFE000  }
.LBB2_9:
0x103: {  	_ =	swait.ge [sflag:s25], $0x2000  }
0x104: {  	[sflag:s25] =	ssyncset.done $0x0  }
0x105: {  	[sflag:s25] =	ssyncadd.s32 $0xFFFFE000  }
.LBB2_10:
0x106: {  	s3 =	simm.s32 $0x2100  }
0x107: {  	v1 =	vld [tilespmem:s3+$0x70]  }
0x108: {  	v2 =	vld [tilespmem:s3+$0xFFFFFF10]  }
0x109: {  	v3 =	vld [tilespmem:s3+$0xFFFFFF20]  }
0x10a: {  	v4 =	vld [tilespmem:s3+$0xFFFFFF30]  }
0x10b: {  	v5 =	vld [tilespmem:s3+$0xFFFFFF40]  }
0x10c: {  	v6 =	vld [tilespmem:s3+$0xFFFFFF50]  }
0x10d: {  	v8 =	vld [tilespmem:s3+$0xFFFFFF70]  }
0x10e: {  	v9 =	vld [tilespmem:s3+$0x0]  }
0x10f: {  	v10 =	vld [tilespmem:s3+$0x10]  }
0x110: {  	v12 =	vld [tilespmem:s3+$0x20]  }
0x111: {  	v14 =	vld [tilespmem:s3+$0x40]  }
0x112: {  	v15 =	vld [tilespmem:s3+$0xFFFFFF00];
	v1 =	vmul.f32 $4.000000000e+00, v1;
	v2 =	vmul.f32 $4.000000000e+00, v2  }
0x113: {  	v3 =	vmul.f32 $4.000000000e+00, v3;
	v4 =	vmul.f32 $4.000000000e+00, v4  }
0x114: {  	v5 =	vmul.f32 $4.000000000e+00, v5;
	v6 =	vmul.f32 $4.000000000e+00, v6  }
0x115: {  	v8 =	vmul.f32 $4.000000000e+00, v8;
	v9 =	vmul.f32 $4.000000000e+00, v9  }
0x116: {  	v10 =	vmul.f32 $4.000000000e+00, v10;
	v12 =	vmul.f32 $4.000000000e+00, v12  }
0x117: {  	v14 =	vmul.f32 $4.000000000e+00, v14;
	v15 =	vmul.f32 $4.000000000e+00, v15;
	v1 =	vmax.f32 v1, $-1.700000000e+01  }
0x118: {  	v2 =	vmax.f32 v2, $-1.700000000e+01;
	v3 =	vmax.f32 v3, $-1.700000000e+01;
	v5 =	vmax.f32 v5, $-1.700000000e+01  }
0x119: {  	v6 =	vmax.f32 v6, $-1.700000000e+01;
	v8 =	vmax.f32 v8, $-1.700000000e+01;
	v9 =	vmax.f32 v9, $-1.700000000e+01  }
0x11a: {  	v10 =	vmax.f32 v10, $-1.700000000e+01;
	v12 =	vmax.f32 v12, $-1.700000000e+01;
	v14 =	vmax.f32 v14, $-1.700000000e+01  }
0x11b: {  	v7 =	vld [tilespmem:s3+$0xFFFFFF60];
	v1 =	vmin.f32 v1, $1.600000000e+01;
	v2 =	vmin.f32 v2, $1.600000000e+01;
	v3 =	vmin.f32 v3, $1.600000000e+01  }
0x11c: {  	v5 =	vmin.f32 v5, $1.600000000e+01;
	v6 =	vmin.f32 v6, $1.600000000e+01;
	v8 =	vmin.f32 v8, $1.600000000e+01  }
0x11d: {  	v17 =	vmin.f32 v9, $1.600000000e+01;
	v18 =	vmin.f32 v10, $1.600000000e+01;
	v10 =	vmax.f32 v15, $-1.700000000e+01  }
0x11e: {  	v19 =	vmin.f32 v12, $1.600000000e+01;
	v11 =	vtrunc.f32 v1;
	v24 =	vtrunc.f32 v8  }
0x11f: {  	v21 =	vmin.f32 v14, $1.600000000e+01;
	v25 =	vtrunc.f32 v18;
	v13 =	vcvt.f32.s32 v11  }
0x120: {  	vm0 =	vlt.f32 v1, v11;
	v1 =	vmax.f32 v4, $-1.700000000e+01;
	v4 =	vmul.f32 $4.000000000e+00, v7;
	v7 =	vld [tilespmem:s3+$0x30]  }
0x121: {  	v26 =	vtrunc.f32 v19;
	v28 =	vtrunc.f32 v21;
	v11 =	vsel vm0, $0x10, v0  }
0x122: {  	vm10 =	vlt.f32 v8, v24;
	vm12 =	vlt.f32 v18, v25;
	v16 =	vadd.s32 v13, v11;
	v11 =	vld [tilespmem:s3+$0x50]  }
0x123: {  	vm13 =	vlt.f32 v19, v26;
	v8 =	vcvt.f32.s32 v25;
	vm1 =	vlt.f32 v21, v28;
	v13 =	vld [tilespmem:s3+$0x60]  }
0x124: {  	v1 =	vmin.f32 v1, $1.600000000e+01;
	v19 =	vsel vm10, $0x10, v0;
	v4 =	vmax.f32 v4, $-1.700000000e+01  }
0x125: {  	v12 =	vtrunc.f32 v1;
	v4 =	vmin.f32 v4, $1.600000000e+01;
	v7 =	vmul.f32 $4.000000000e+00, v7  }
0x126: {  	s6 =	simm.s32 $0xA100;
	vm6 =	vlt.f32 v1, v12;
	v1 =	vtrunc.f32 v17;
	v14 =	vcvt.f32.s32 v12  }
0x127: {  	[tilespmem:s6+$0x70] =	vst v16;
	v16 =	vsel vm13, $0x10, v0;
	v7 =	vmax.f32 v7, $-1.700000000e+01;
	v11 =	vmul.f32 $4.000000000e+00, v11  }
0x128: {  	v13 =	vmul.f32 $4.000000000e+00, v13;
	v20 =	vmin.f32 v7, $1.600000000e+01;
	v7 =	vmin.f32 v10, $1.600000000e+01  }
0x129: {  	vm11 =	vlt.f32 v17, v1;
	v11 =	vmax.f32 v11, $-1.700000000e+01;
	v10 =	vtrunc.f32 v7  }
0x12a: {  	v9 =	vmax.f32 v13, $-1.700000000e+01;
	v13 =	vtrunc.f32 v6;
	v27 =	vtrunc.f32 v20  }
0x12b: {  	v22 =	vmin.f32 v11, $1.600000000e+01;
	v11 =	vtrunc.f32 v2;
	v23 =	vmin.f32 v9, $1.600000000e+01  }
0x12c: {  	vm2 =	vlt.f32 v7, v10;
	v7 =	vtrunc.f32 v3;
	vm7 =	vlt.f32 v6, v13  }
0x12d: {  	v9 =	vcvt.f32.s32 v10;
	v6 =	vcvt.f32.s32 v26;
	vm4 =	vlt.f32 v2, v11  }
0x12e: {  	v2 =	vtrunc.f32 v5;
	vm5 =	vlt.f32 v3, v7;
	v3 =	vtrunc.f32 v4  }
0x12f: {  	v17 =	vsel vm12, $0x10, v0;
	v29 =	vtrunc.f32 v22;
	v30 =	vtrunc.f32 v23  }
0x130: {  	v18 =	vsel vm11, $0x10, v0;
	v15 =	vcvt.f32.s32 v11;
	v10 =	vcvt.f32.s32 v7  }
0x131: {  	vm0 =	vlt.f32 v20, v27;
	v11 =	vcvt.f32.s32 v13;
	v13 =	vcvt.f32.s32 v24  }
0x132: {  	v24 =	vsel vm2, $0x10, v0;
	vm8 =	vlt.f32 v5, v2;
	v12 =	vcvt.f32.s32 v2  }
0x133: {  	vm9 =	vlt.f32 v4, v3;
	v7 =	vcvt.f32.s32 v3;
	v5 =	vcvt.f32.s32 v1  }
0x134: {  	v4 =	vcvt.f32.s32 v27;
	v3 =	vcvt.f32.s32 v28;
	vm3 =	vlt.f32 v22, v29  }
0x135: {  	v1 =	vcvt.f32.s32 v29;
	vm2 =	vlt.f32 v23, v30;
	v2 =	vcvt.f32.s32 v30  }
0x136: {  	s16 =	sadd.s32 $0x1, s7;
	s19 =	simm.s32 $0x0;
	s5 =	simm.s32 $0xA180;
	v26 =	vsel vm4, $0x10, v0;
	v25 =	vsel vm5, $0x10, v0;
	v23 =	vsel vm6, $0x10, v0  }
0x137: {  	s21 =	simm.s32 $0x2180;
	s20 =	simm.s32 $0x2300;
	s3 =	simm.s32 $0xA100;
	v22 =	vsel vm7, $0x10, v0;
	v21 =	vsel vm8, $0x10, v0;
	v20 =	vsel vm9, $0x10, v0  }
.LBB2_11:
0x138: {  	v27 =	vld [tilespmem:s20+$0x70];
	s19 =	sadd.s32 $0x100, s19;
	v28 =	vsel vm0, $0x10, v0;
	v29 =	vsel vm1, $0x10, v0;
	v30 =	vsel vm3, $0x10, v0  }
0x139: {  	v9 =	vadd.s32 v9, v24;
	v15 =	vadd.s32 v15, v26;
	v24 =	vsel vm2, $0x10, v0;
	v31 =	vld [tilespmem:s20+$0xFFFFFF10];
	p2 =	slt.u32 s19, $0xF00  }
0x13a: {  	v12 =	vadd.s32 v12, v21;
	v26 =	vld [tilespmem:s20+$0xFFFFFF20];
	[tilespmem:s6+$0xFFFFFF00] =	vst v9;
	v9 =	vadd.s32 v10, v25;
	v10 =	vadd.s32 v14, v23  }
0x13b: {  	v11 =	vadd.s32 v11, v22;
	v7 =	vadd.s32 v7, v20;
	v13 =	vadd.s32 v13, v19;
	v14 =	vld [tilespmem:s20+$0xFFFFFF30];
	[tilespmem:s6+$0xFFFFFF10] =	vst v15  }
0x13c: {  	v5 =	vadd.s32 v5, v18;
	v8 =	vadd.s32 v8, v17;
	v6 =	vadd.s32 v6, v16;
	v15 =	vld [tilespmem:s20+$0xFFFFFF40];
	[tilespmem:s6+$0xFFFFFF20] =	vst v9  }
0x13d: {  	v4 =	vadd.s32 v4, v28;
	v3 =	vadd.s32 v3, v29;
	v9 =	vld [tilespmem:s20+$0xFFFFFF50];
	v16 =	vmul.f32 $4.000000000e+00, v27;
	[tilespmem:s6+$0xFFFFFF30] =	vst v10  }
0x13e: {  	v1 =	vadd.s32 v1, v30;
	v2 =	vadd.s32 v2, v24;
	v10 =	vmul.f32 $4.000000000e+00, v31;
	v17 =	vld [tilespmem:s20+$0xFFFFFF60];
	[tilespmem:s6+$0xFFFFFF40] =	vst v12  }
0x13f: {  	v12 =	vmul.f32 $4.000000000e+00, v26;
	v18 =	vld [tilespmem:s20+$0xFFFFFF70];
	v16 =	vmax.f32 v16, $-1.700000000e+01;
	[tilespmem:s6+$0xFFFFFF50] =	vst v11  }
0x140: {  	v10 =	vmax.f32 v10, $-1.700000000e+01;
	v11 =	vmul.f32 $4.000000000e+00, v14;
	v14 =	vld [tilespmem:s20+$0x0];
	v16 =	vmin.f32 v16, $1.600000000e+01;
	[tilespmem:s6+$0xFFFFFF60] =	vst v7  }
0x141: {  	v7 =	vmax.f32 v12, $-1.700000000e+01;
	v12 =	vmul.f32 $4.000000000e+00, v15;
	v15 =	vld [tilespmem:s20+$0x10];
	v19 =	vtrunc.f32 v16;
	[tilespmem:s6+$0xFFFFFF70] =	vst v13  }
0x142: {  	v9 =	vmul.f32 $4.000000000e+00, v9;
	v13 =	vld [tilespmem:s20+$0x20];
	v20 =	vcvt.f32.s32 v19;
	vm0 =	vlt.f32 v16, v19;
	[tilespmem:s6+$0x0] =	vst v5  }
0x143: {  	v5 =	vmax.f32 v11, $-1.700000000e+01;
	v11 =	vmul.f32 $4.000000000e+00, v17;
	v16 =	vld [tilespmem:s20+$0x30];
	v17 =	vsel vm0, $0x10, v0;
	[tilespmem:s6+$0x10] =	vst v8  }
0x144: {  	v8 =	vmax.f32 v12, $-1.700000000e+01;
	s6 =	sadd.s32 $0x200, s6;
	v12 =	vmul.f32 $4.000000000e+00, v18;
	v18 =	vld [tilespmem:s20+$0x40];
	v17 =	vadd.s32 v20, v17;
	[tilespmem:s3+$0x20] =	vst v6  }
0x145: {  	v6 =	vmax.f32 v9, $-1.700000000e+01;
	v9 =	vmax.f32 v11, $-1.700000000e+01;
	v11 =	vmul.f32 $4.000000000e+00, v14;
	v14 =	vld [tilespmem:s20+$0x50];
	[tilespmem:s6+$0x70] =	vst v17  }
0x146: {  	v10 =	vmin.f32 v10, $1.600000000e+01;
	v12 =	vmax.f32 v12, $-1.700000000e+01;
	v15 =	vmul.f32 $4.000000000e+00, v15;
	v17 =	vld [tilespmem:s20+$0x60];
	[tilespmem:s3+$0x30] =	vst v4  }
0x147: {  	v7 =	vmin.f32 v7, $1.600000000e+01;
	v4 =	vld [tilespmem:s20+$0xFFFFFF00];
	v11 =	vmax.f32 v11, $-1.700000000e+01;
	v13 =	vmul.f32 $4.000000000e+00, v13;
	[tilespmem:s3+$0x40] =	vst v3  }
0x148: {  	v3 =	vmin.f32 v5, $1.600000000e+01;
	v5 =	vmax.f32 v15, $-1.700000000e+01;
	v15 =	vmul.f32 $4.000000000e+00, v16;
	[tilespmem:s3+$0x50] =	vst v1  }
0x149: {  	v1 =	vmin.f32 v8, $1.600000000e+01;
	v8 =	vmax.f32 v13, $-1.700000000e+01;
	v13 =	vmul.f32 $4.000000000e+00, v18;
	[tilespmem:s3+$0x60] =	vst v2;
	s3 =	smov.u32 s6  }
0x14a: {  	v2 =	vmin.f32 v6, $1.600000000e+01;
	v6 =	vmax.f32 v15, $-1.700000000e+01;
	v14 =	vmul.f32 $4.000000000e+00, v14  }
0x14b: {  	v15 =	vmin.f32 v9, $1.600000000e+01;
	v9 =	vmax.f32 v13, $-1.700000000e+01;
	v13 =	vmul.f32 $4.000000000e+00, v17  }
0x14c: {  	v12 =	vmin.f32 v12, $1.600000000e+01;
	v4 =	vmul.f32 $4.000000000e+00, v4;
	v14 =	vmax.f32 v14, $-1.700000000e+01  }
0x14d: {  	v11 =	vmin.f32 v11, $1.600000000e+01;
	v5 =	vmin.f32 v5, $1.600000000e+01;
	v13 =	vmax.f32 v13, $-1.700000000e+01  }
0x14e: {  	v8 =	vmin.f32 v8, $1.600000000e+01;
	v16 =	vmin.f32 v6, $1.600000000e+01;
	v4 =	vmax.f32 v4, $-1.700000000e+01  }
0x14f: {  	v17 =	vmin.f32 v9, $1.600000000e+01;
	v18 =	vmin.f32 v14, $1.600000000e+01;
	v4 =	vmin.f32 v4, $1.600000000e+01  }
0x150: {  	v14 =	vtrunc.f32 v10;
	v19 =	vmin.f32 v13, $1.600000000e+01;
	v6 =	vtrunc.f32 v4  }
0x151: {  	v13 =	vtrunc.f32 v3;
	vm2 =	vlt.f32 v4, v6;
	v4 =	vtrunc.f32 v7  }
0x152: {  	v20 =	vtrunc.f32 v1;
	v21 =	vtrunc.f32 v2;
	vm4 =	vlt.f32 v10, v14  }
0x153: {  	v22 =	vtrunc.f32 v12;
	vm5 =	vlt.f32 v7, v4;
	v7 =	vtrunc.f32 v15  }
0x154: {  	v23 =	vtrunc.f32 v5;
	vm6 =	vlt.f32 v3, v13;
	v3 =	vtrunc.f32 v11  }
0x155: {  	vm7 =	vlt.f32 v1, v20;
	v1 =	vtrunc.f32 v8;
	v24 =	vtrunc.f32 v16  }
0x156: {  	vm8 =	vlt.f32 v2, v21;
	v2 =	vtrunc.f32 v17;
	v25 =	vtrunc.f32 v18  }
0x157: {  	v27 =	vtrunc.f32 v19;
	v9 =	vcvt.f32.s32 v6;
	vm9 =	vlt.f32 v15, v7  }
0x158: {  	vm10 =	vlt.f32 v12, v22;
	v10 =	vcvt.f32.s32 v4;
	v15 =	vcvt.f32.s32 v14  }
0x159: {  	v12 =	vcvt.f32.s32 v20;
	vm11 =	vlt.f32 v11, v3;
	v14 =	vcvt.f32.s32 v13  }
0x15a: {  	vm12 =	vlt.f32 v5, v23;
	v11 =	vcvt.f32.s32 v21;
	v7 =	vcvt.f32.s32 v7  }
0x15b: {  	vm13 =	vlt.f32 v8, v1;
	v5 =	vcvt.f32.s32 v3;
	v13 =	vcvt.f32.s32 v22  }
0x15c: {  	v8 =	vcvt.f32.s32 v23;
	vm0 =	vlt.f32 v16, v24;
	v6 =	vcvt.f32.s32 v1  }
0x15d: {  	vm1 =	vlt.f32 v17, v2;
	v3 =	vcvt.f32.s32 v2;
	v4 =	vcvt.f32.s32 v24  }
.Ltmp5:
0x15e: {  	vm3 =	vlt.f32 v18, v25;
	v2 =	vcvt.f32.s32 v27;
	v1 =	vcvt.f32.s32 v25;
	(pc) =	sbr.rel @p2 .LBB2_11-.Ltmp5, $4  }
0x15f: {  	v26 =	vsel vm4, $0x10, v0;
	v24 =	vsel vm2, $0x10, v0;
	vm2 =	vlt.f32 v19, v27  }
0x160: {  	v23 =	vsel vm6, $0x10, v0;
	v21 =	vsel vm7, $0x10, v0;
	v25 =	vsel vm5, $0x10, v0  }
0x161: {  	v19 =	vsel vm10, $0x10, v0;
	v22 =	vsel vm8, $0x10, v0;
	v20 =	vsel vm9, $0x10, v0  }
0x162: {  	s20 =	sadd.s32 $0x200, s20;
	v16 =	vsel vm13, $0x10, v0;
	v17 =	vsel vm12, $0x10, v0;
	v18 =	vsel vm11, $0x10, v0  }
0x163: {  	v9 =	vadd.s32 v9, v24  }
0x164: {  	v15 =	vadd.s32 v15, v26;
	[tilespmem:s6+$0xFFFFFF00] =	vst v9  }
0x165: {  	v7 =	vadd.s32 v7, v20;
	[tilespmem:s6+$0xFFFFFF10] =	vst v15  }
0x166: {  	v5 =	vadd.s32 v5, v18;
	[tilespmem:s6+$0xFFFFFF60] =	vst v7  }
0x167: {  	v6 =	vadd.s32 v6, v16;
	[tilespmem:s6+$0x0] =	vst v5  }
0x168: {  	v9 =	vadd.s32 v10, v25;
	[tilespmem:s3+$0x20] =	vst v6  }
0x169: {  	v10 =	vadd.s32 v14, v23;
	[tilespmem:s6+$0xFFFFFF20] =	vst v9  }
0x16a: {  	v7 =	vadd.s32 v8, v17;
	[tilespmem:s6+$0xFFFFFF30] =	vst v10  }
0x16b: {  	v9 =	vadd.s32 v12, v21;
	[tilespmem:s6+$0x10] =	vst v7  }
0x16c: {  	v5 =	vsel vm0, $0x10, v0;
	v10 =	vadd.s32 v11, v22;
	[tilespmem:s6+$0xFFFFFF40] =	vst v9  }
0x16d: {  	v4 =	vadd.s32 v4, v5;
	[tilespmem:s6+$0xFFFFFF50] =	vst v10  }
0x16e: {  	v7 =	vsel vm1, $0x10, v0;
	v9 =	vadd.s32 v13, v19;
	[tilespmem:s3+$0x30] =	vst v4  }
0x16f: {  	v5 =	vsel vm3, $0x10, v0;
	v3 =	vadd.s32 v3, v7;
	[tilespmem:s6+$0xFFFFFF70] =	vst v9  }
0x170: {  	v4 =	vsel vm2, $0x10, v0;
	v1 =	vadd.s32 v1, v5;
	[tilespmem:s3+$0x40] =	vst v3  }
0x171: {  	v2 =	vadd.s32 v2, v4;
	[tilespmem:s3+$0x50] =	vst v1  }
0x172: {  	[tilespmem:s3+$0x60] =	vst v2  }
0x173: {  	v1 =	vld [tilespmem:s21+$0x70]  }
0x174: {  	v2 =	vld [tilespmem:s21+$0xFFFFFF10]  }
0x175: {  	v3 =	vld [tilespmem:s21+$0xFFFFFF20]  }
0x176: {  	v4 =	vld [tilespmem:s21+$0xFFFFFF30]  }
0x177: {  	v5 =	vld [tilespmem:s21+$0xFFFFFF40]  }
0x178: {  	v6 =	vld [tilespmem:s21+$0xFFFFFF50]  }
0x179: {  	v8 =	vld [tilespmem:s21+$0xFFFFFF70]  }
0x17a: {  	v9 =	vld [tilespmem:s21+$0x0]  }
0x17b: {  	v10 =	vld [tilespmem:s21+$0x10]  }
0x17c: {  	v12 =	vld [tilespmem:s21+$0x20]  }
0x17d: {  	v14 =	vld [tilespmem:s21+$0x40]  }
0x17e: {  	v15 =	vld [tilespmem:s21+$0xFFFFFF00];
	v1 =	vmul.f32 $4.000000000e+00, v1;
	v2 =	vmul.f32 $4.000000000e+00, v2  }
0x17f: {  	v3 =	vmul.f32 $4.000000000e+00, v3;
	v4 =	vmul.f32 $4.000000000e+00, v4  }
0x180: {  	v5 =	vmul.f32 $4.000000000e+00, v5;
	v6 =	vmul.f32 $4.000000000e+00, v6  }
0x181: {  	v8 =	vmul.f32 $4.000000000e+00, v8;
	v9 =	vmul.f32 $4.000000000e+00, v9  }
0x182: {  	v10 =	vmul.f32 $4.000000000e+00, v10;
	v12 =	vmul.f32 $4.000000000e+00, v12  }
0x183: {  	v14 =	vmul.f32 $4.000000000e+00, v14;
	v15 =	vmul.f32 $4.000000000e+00, v15;
	v1 =	vmax.f32 v1, $-1.700000000e+01  }
0x184: {  	v2 =	vmax.f32 v2, $-1.700000000e+01;
	v3 =	vmax.f32 v3, $-1.700000000e+01;
	v5 =	vmax.f32 v5, $-1.700000000e+01  }
0x185: {  	v6 =	vmax.f32 v6, $-1.700000000e+01;
	v8 =	vmax.f32 v8, $-1.700000000e+01;
	v9 =	vmax.f32 v9, $-1.700000000e+01  }
0x186: {  	v10 =	vmax.f32 v10, $-1.700000000e+01;
	v12 =	vmax.f32 v12, $-1.700000000e+01;
	v14 =	vmax.f32 v14, $-1.700000000e+01  }
0x187: {  	v7 =	vld [tilespmem:s21+$0xFFFFFF60];
	v1 =	vmin.f32 v1, $1.600000000e+01;
	v2 =	vmin.f32 v2, $1.600000000e+01;
	v3 =	vmin.f32 v3, $1.600000000e+01  }
0x188: {  	v5 =	vmin.f32 v5, $1.600000000e+01;
	v6 =	vmin.f32 v6, $1.600000000e+01;
	v8 =	vmin.f32 v8, $1.600000000e+01  }
0x189: {  	v17 =	vmin.f32 v9, $1.600000000e+01;
	v18 =	vmin.f32 v10, $1.600000000e+01;
	v10 =	vmax.f32 v15, $-1.700000000e+01  }
0x18a: {  	v19 =	vmin.f32 v12, $1.600000000e+01;
	v11 =	vtrunc.f32 v1;
	v24 =	vtrunc.f32 v8  }
0x18b: {  	v21 =	vmin.f32 v14, $1.600000000e+01;
	v25 =	vtrunc.f32 v18;
	v13 =	vcvt.f32.s32 v11  }
0x18c: {  	vm0 =	vlt.f32 v1, v11;
	v1 =	vmax.f32 v4, $-1.700000000e+01;
	v4 =	vmul.f32 $4.000000000e+00, v7;
	v7 =	vld [tilespmem:s21+$0x30]  }
0x18d: {  	v26 =	vtrunc.f32 v19;
	v28 =	vtrunc.f32 v21;
	v11 =	vsel vm0, $0x10, v0  }
0x18e: {  	vm10 =	vlt.f32 v8, v24;
	vm12 =	vlt.f32 v18, v25;
	v16 =	vadd.s32 v13, v11;
	v11 =	vld [tilespmem:s21+$0x50]  }
0x18f: {  	vm13 =	vlt.f32 v19, v26;
	v8 =	vcvt.f32.s32 v25;
	vm1 =	vlt.f32 v21, v28;
	v13 =	vld [tilespmem:s21+$0x60]  }
0x190: {  	v1 =	vmin.f32 v1, $1.600000000e+01;
	v19 =	vsel vm10, $0x10, v0;
	v4 =	vmax.f32 v4, $-1.700000000e+01  }
0x191: {  	v12 =	vtrunc.f32 v1;
	v4 =	vmin.f32 v4, $1.600000000e+01;
	v7 =	vmul.f32 $4.000000000e+00, v7  }
0x192: {  	vm6 =	vlt.f32 v1, v12;
	v1 =	vtrunc.f32 v17;
	v14 =	vcvt.f32.s32 v12  }
0x193: {  	[tilespmem:s5+$0x70] =	vst v16;
	v16 =	vsel vm13, $0x10, v0;
	v7 =	vmax.f32 v7, $-1.700000000e+01;
	v11 =	vmul.f32 $4.000000000e+00, v11  }
0x194: {  	v13 =	vmul.f32 $4.000000000e+00, v13;
	v20 =	vmin.f32 v7, $1.600000000e+01;
	v7 =	vmin.f32 v10, $1.600000000e+01  }
0x195: {  	vm11 =	vlt.f32 v17, v1;
	v11 =	vmax.f32 v11, $-1.700000000e+01;
	v10 =	vtrunc.f32 v7  }
0x196: {  	v9 =	vmax.f32 v13, $-1.700000000e+01;
	v13 =	vtrunc.f32 v6;
	v27 =	vtrunc.f32 v20  }
0x197: {  	v22 =	vmin.f32 v11, $1.600000000e+01;
	v11 =	vtrunc.f32 v2;
	v23 =	vmin.f32 v9, $1.600000000e+01  }
0x198: {  	vm2 =	vlt.f32 v7, v10;
	v7 =	vtrunc.f32 v3;
	vm8 =	vlt.f32 v6, v13  }
0x199: {  	v9 =	vcvt.f32.s32 v10;
	v6 =	vcvt.f32.s32 v26;
	vm4 =	vlt.f32 v2, v11  }
0x19a: {  	v2 =	vtrunc.f32 v5;
	vm5 =	vlt.f32 v3, v7;
	v3 =	vtrunc.f32 v4  }
0x19b: {  	v17 =	vsel vm12, $0x10, v0;
	v29 =	vtrunc.f32 v22;
	v30 =	vtrunc.f32 v23  }
0x19c: {  	v18 =	vsel vm11, $0x10, v0;
	v15 =	vcvt.f32.s32 v11;
	v10 =	vcvt.f32.s32 v7  }
0x19d: {  	vm0 =	vlt.f32 v20, v27;
	v11 =	vcvt.f32.s32 v13;
	v13 =	vcvt.f32.s32 v24  }
0x19e: {  	v25 =	vsel vm2, $0x10, v0;
	v21 =	vsel vm8, $0x10, v0;
	v12 =	vcvt.f32.s32 v2  }
0x19f: {  	vm7 =	vlt.f32 v5, v2;
	v7 =	vcvt.f32.s32 v3;
	v5 =	vcvt.f32.s32 v1  }
0x1a0: {  	vm9 =	vlt.f32 v4, v3;
	v4 =	vcvt.f32.s32 v27;
	v3 =	vcvt.f32.s32 v28  }
0x1a1: {  	vm3 =	vlt.f32 v22, v29;
	v1 =	vcvt.f32.s32 v29;
	vm2 =	vlt.f32 v23, v30  }
0x1a2: {  	v2 =	vcvt.f32.s32 v30;
	v26 =	vsel vm4, $0x10, v0;
	v24 =	vsel vm5, $0x10, v0  }
0x1a3: {  	s19 =	simm.s32 $0x2380;
	s6 =	simm.s32 $0x0;
	s3 =	simm.s32 $0xA180;
	v23 =	vsel vm6, $0x10, v0;
	v22 =	vsel vm7, $0x10, v0;
	v20 =	vsel vm9, $0x10, v0  }
.LBB2_13:
0x1a4: {  	v27 =	vld [tilespmem:s19+$0x70];
	s6 =	sadd.s32 $0x100, s6;
	v28 =	vsel vm0, $0x10, v0;
	v29 =	vsel vm1, $0x10, v0;
	v30 =	vsel vm3, $0x10, v0  }
0x1a5: {  	v9 =	vadd.s32 v9, v25;
	v15 =	vadd.s32 v15, v26;
	v25 =	vsel vm2, $0x10, v0;
	v31 =	vld [tilespmem:s19+$0xFFFFFF10];
	p2 =	slt.u32 s6, $0xF00  }
0x1a6: {  	v12 =	vadd.s32 v12, v22;
	v26 =	vld [tilespmem:s19+$0xFFFFFF20];
	[tilespmem:s5+$0xFFFFFF00] =	vst v9;
	v9 =	vadd.s32 v10, v24;
	v10 =	vadd.s32 v14, v23  }
0x1a7: {  	v11 =	vadd.s32 v11, v21;
	v7 =	vadd.s32 v7, v20;
	v13 =	vadd.s32 v13, v19;
	v14 =	vld [tilespmem:s19+$0xFFFFFF30];
	[tilespmem:s5+$0xFFFFFF10] =	vst v15  }
0x1a8: {  	v5 =	vadd.s32 v5, v18;
	v8 =	vadd.s32 v8, v17;
	v6 =	vadd.s32 v6, v16;
	v15 =	vld [tilespmem:s19+$0xFFFFFF40];
	[tilespmem:s5+$0xFFFFFF20] =	vst v9  }
0x1a9: {  	v4 =	vadd.s32 v4, v28;
	v3 =	vadd.s32 v3, v29;
	v9 =	vld [tilespmem:s19+$0xFFFFFF50];
	v16 =	vmul.f32 $4.000000000e+00, v27;
	[tilespmem:s5+$0xFFFFFF30] =	vst v10  }
0x1aa: {  	v1 =	vadd.s32 v1, v30;
	v2 =	vadd.s32 v2, v25;
	v10 =	vmul.f32 $4.000000000e+00, v31;
	v17 =	vld [tilespmem:s19+$0xFFFFFF60];
	[tilespmem:s5+$0xFFFFFF40] =	vst v12  }
0x1ab: {  	v12 =	vmul.f32 $4.000000000e+00, v26;
	v18 =	vld [tilespmem:s19+$0xFFFFFF70];
	v16 =	vmax.f32 v16, $-1.700000000e+01;
	[tilespmem:s5+$0xFFFFFF50] =	vst v11  }
0x1ac: {  	v10 =	vmax.f32 v10, $-1.700000000e+01;
	v11 =	vmul.f32 $4.000000000e+00, v14;
	v14 =	vld [tilespmem:s19+$0x0];
	v16 =	vmin.f32 v16, $1.600000000e+01;
	[tilespmem:s5+$0xFFFFFF60] =	vst v7  }
0x1ad: {  	v7 =	vmax.f32 v12, $-1.700000000e+01;
	v12 =	vmul.f32 $4.000000000e+00, v15;
	v15 =	vld [tilespmem:s19+$0x10];
	v19 =	vtrunc.f32 v16;
	[tilespmem:s5+$0xFFFFFF70] =	vst v13  }
0x1ae: {  	v9 =	vmul.f32 $4.000000000e+00, v9;
	v13 =	vld [tilespmem:s19+$0x20];
	v20 =	vcvt.f32.s32 v19;
	vm0 =	vlt.f32 v16, v19;
	[tilespmem:s5+$0x0] =	vst v5  }
0x1af: {  	v5 =	vmax.f32 v11, $-1.700000000e+01;
	v11 =	vmul.f32 $4.000000000e+00, v17;
	v16 =	vld [tilespmem:s19+$0x30];
	v17 =	vsel vm0, $0x10, v0;
	[tilespmem:s5+$0x10] =	vst v8  }
0x1b0: {  	v8 =	vmax.f32 v12, $-1.700000000e+01;
	s5 =	sadd.s32 $0x200, s5;
	v12 =	vmul.f32 $4.000000000e+00, v18;
	v18 =	vld [tilespmem:s19+$0x40];
	v17 =	vadd.s32 v20, v17;
	[tilespmem:s3+$0x20] =	vst v6  }
0x1b1: {  	v6 =	vmax.f32 v9, $-1.700000000e+01;
	v9 =	vmax.f32 v11, $-1.700000000e+01;
	v11 =	vmul.f32 $4.000000000e+00, v14;
	v14 =	vld [tilespmem:s19+$0x50];
	[tilespmem:s5+$0x70] =	vst v17  }
0x1b2: {  	v10 =	vmin.f32 v10, $1.600000000e+01;
	v12 =	vmax.f32 v12, $-1.700000000e+01;
	v15 =	vmul.f32 $4.000000000e+00, v15;
	v17 =	vld [tilespmem:s19+$0x60];
	[tilespmem:s3+$0x30] =	vst v4  }
0x1b3: {  	v7 =	vmin.f32 v7, $1.600000000e+01;
	v4 =	vld [tilespmem:s19+$0xFFFFFF00];
	v11 =	vmax.f32 v11, $-1.700000000e+01;
	v13 =	vmul.f32 $4.000000000e+00, v13;
	[tilespmem:s3+$0x40] =	vst v3  }
0x1b4: {  	v3 =	vmin.f32 v5, $1.600000000e+01;
	v5 =	vmax.f32 v15, $-1.700000000e+01;
	v15 =	vmul.f32 $4.000000000e+00, v16;
	[tilespmem:s3+$0x50] =	vst v1  }
0x1b5: {  	v1 =	vmin.f32 v8, $1.600000000e+01;
	v8 =	vmax.f32 v13, $-1.700000000e+01;
	v13 =	vmul.f32 $4.000000000e+00, v18;
	[tilespmem:s3+$0x60] =	vst v2;
	s3 =	smov.u32 s5  }
0x1b6: {  	v2 =	vmin.f32 v6, $1.600000000e+01;
	v6 =	vmax.f32 v15, $-1.700000000e+01;
	v14 =	vmul.f32 $4.000000000e+00, v14  }
0x1b7: {  	v15 =	vmin.f32 v9, $1.600000000e+01;
	v9 =	vmax.f32 v13, $-1.700000000e+01;
	v13 =	vmul.f32 $4.000000000e+00, v17  }
0x1b8: {  	v12 =	vmin.f32 v12, $1.600000000e+01;
	v4 =	vmul.f32 $4.000000000e+00, v4;
	v14 =	vmax.f32 v14, $-1.700000000e+01  }
0x1b9: {  	v11 =	vmin.f32 v11, $1.600000000e+01;
	v5 =	vmin.f32 v5, $1.600000000e+01;
	v13 =	vmax.f32 v13, $-1.700000000e+01  }
0x1ba: {  	v8 =	vmin.f32 v8, $1.600000000e+01;
	v16 =	vmin.f32 v6, $1.600000000e+01;
	v4 =	vmax.f32 v4, $-1.700000000e+01  }
0x1bb: {  	v17 =	vmin.f32 v9, $1.600000000e+01;
	v18 =	vmin.f32 v14, $1.600000000e+01;
	v4 =	vmin.f32 v4, $1.600000000e+01  }
0x1bc: {  	v14 =	vtrunc.f32 v10;
	v19 =	vmin.f32 v13, $1.600000000e+01;
	v6 =	vtrunc.f32 v4  }
0x1bd: {  	v13 =	vtrunc.f32 v3;
	vm2 =	vlt.f32 v4, v6;
	v4 =	vtrunc.f32 v7  }
0x1be: {  	v20 =	vtrunc.f32 v1;
	v21 =	vtrunc.f32 v2;
	vm4 =	vlt.f32 v10, v14  }
0x1bf: {  	v22 =	vtrunc.f32 v12;
	vm5 =	vlt.f32 v7, v4;
	v7 =	vtrunc.f32 v15  }
0x1c0: {  	v23 =	vtrunc.f32 v5;
	vm6 =	vlt.f32 v3, v13;
	v3 =	vtrunc.f32 v11  }
0x1c1: {  	vm7 =	vlt.f32 v1, v20;
	v1 =	vtrunc.f32 v8;
	v24 =	vtrunc.f32 v16  }
0x1c2: {  	vm8 =	vlt.f32 v2, v21;
	v2 =	vtrunc.f32 v17;
	v25 =	vtrunc.f32 v18  }
0x1c3: {  	v27 =	vtrunc.f32 v19;
	v9 =	vcvt.f32.s32 v6;
	vm9 =	vlt.f32 v15, v7  }
0x1c4: {  	vm10 =	vlt.f32 v12, v22;
	v10 =	vcvt.f32.s32 v4;
	v15 =	vcvt.f32.s32 v14  }
0x1c5: {  	v12 =	vcvt.f32.s32 v20;
	vm11 =	vlt.f32 v11, v3;
	v14 =	vcvt.f32.s32 v13  }
0x1c6: {  	vm12 =	vlt.f32 v5, v23;
	v11 =	vcvt.f32.s32 v21;
	v7 =	vcvt.f32.s32 v7  }
0x1c7: {  	vm13 =	vlt.f32 v8, v1;
	v5 =	vcvt.f32.s32 v3;
	v13 =	vcvt.f32.s32 v22  }
0x1c8: {  	v8 =	vcvt.f32.s32 v23;
	vm0 =	vlt.f32 v16, v24;
	v6 =	vcvt.f32.s32 v1  }
0x1c9: {  	vm1 =	vlt.f32 v17, v2;
	v3 =	vcvt.f32.s32 v2;
	v4 =	vcvt.f32.s32 v24  }
.Ltmp6:
0x1ca: {  	vm3 =	vlt.f32 v18, v25;
	v2 =	vcvt.f32.s32 v27;
	v1 =	vcvt.f32.s32 v25;
	(pc) =	sbr.rel @p2 .LBB2_13-.Ltmp6, $4  }
0x1cb: {  	v26 =	vsel vm4, $0x10, v0;
	v25 =	vsel vm2, $0x10, v0;
	vm2 =	vlt.f32 v19, v27  }
0x1cc: {  	v23 =	vsel vm6, $0x10, v0;
	v24 =	vsel vm5, $0x10, v0;
	v22 =	vsel vm7, $0x10, v0  }
0x1cd: {  	v21 =	vsel vm8, $0x10, v0;
	v19 =	vsel vm10, $0x10, v0;
	v20 =	vsel vm9, $0x10, v0  }
0x1ce: {  	s19 =	sadd.s32 $0x200, s19;
	v16 =	vsel vm13, $0x10, v0;
	v17 =	vsel vm12, $0x10, v0;
	v18 =	vsel vm11, $0x10, v0  }
0x1cf: {  	v9 =	vadd.s32 v9, v25  }
0x1d0: {  	v15 =	vadd.s32 v15, v26;
	[tilespmem:s5+$0xFFFFFF00] =	vst v9  }
0x1d1: {  	v54 =	vadd.s32 v10, v24;
	[tilespmem:s5+$0xFFFFFF10] =	vst v15  }
0x1d2: {  	v55 =	vadd.s32 v14, v23;
	[tilespmem:s5+$0xFFFFFF20] =	vst v54  }
0x1d3: {  	v56 =	vadd.s32 v12, v22;
	[tilespmem:s5+$0xFFFFFF30] =	vst v55  }
0x1d4: {  	v57 =	vadd.s32 v11, v21;
	[tilespmem:s5+$0xFFFFFF40] =	vst v56  }
0x1d5: {  	v7 =	vadd.s32 v7, v20;
	[tilespmem:s5+$0xFFFFFF50] =	vst v57  }
0x1d6: {  	v58 =	vadd.s32 v13, v19;
	[tilespmem:s5+$0xFFFFFF60] =	vst v7  }
0x1d7: {  	v5 =	vadd.s32 v5, v18;
	[tilespmem:s5+$0xFFFFFF70] =	vst v58  }
0x1d8: {  	v59 =	vadd.s32 v8, v17;
	[tilespmem:s5+$0x0] =	vst v5  }
0x1d9: {  	v60 =	vsel vm0, $0x10, v0;
	v6 =	vadd.s32 v6, v16;
	[tilespmem:s5+$0x10] =	vst v59  }
0x1da: {  	v61 =	vsel vm1, $0x10, v0;
	v4 =	vadd.s32 v4, v60;
	[tilespmem:s3+$0x20] =	vst v6  }
.Ltmp7:
0x1db: {  	v62 =	vsel vm3, $0x10, v0;
	v3 =	vadd.s32 v3, v61;
	[tilespmem:s3+$0x30] =	vst v4;
	(pc) =	sbr.rel @p1 .LBB2_16-.Ltmp7, $4  }
0x1dc: {  	v63 =	vsel vm2, $0x10, v0;
	v1 =	vadd.s32 v1, v62;
	[tilespmem:s3+$0x40] =	vst v3  }
0x1dd: {  	v2 =	vadd.s32 v2, v63;
	[tilespmem:s3+$0x50] =	vst v1  }
0x1de: {  	s21 =	sadd.s32 s8, s10;
	[tilespmem:s3+$0x60] =	vst v2  }
0x1df: {  	[hbm4b:s21+s17] =	stream.strided.scatter [tilespmem:s26], [sflag:$0x6], $0x2000, s18, s17, $0x38;
	[tilespmem:$0x10000] =	vst v63  }
.Ltmp8:
0x1e0: {  	(pc) =	sbr.rel .LBB2_17-.Ltmp8, $4  }
0x1e1: {  	_ = 	snop  }
0x1e2: {  	_ =	swait.ge [sflag:s28], $0x2000  }
0x1e3: {  	[sflag:s28] =	ssyncset.done $0x0  }
0x1e4: {  	[sflag:s28] =	ssyncadd.s32 $0xFFFFE000  }
.LBB2_16:
.Ltmp9:
0x1e5: {  	s3 =	sadd.s32 s8, s11;
	s5 =	simm.s32 $0x2000;
	(pc) =	sbr.rel @p0 .LBB2_18-.Ltmp9, $4  }
0x1e6: {  	[tilespmem:s5], [sflag:$0x2] =	stream.strided.gather [hbm4b:s3+s17], $0x2000, s18, s17, $0x38;
	[tilespmem:$0x10000] =	vst v63  }
0x1e7: {  	_ =	swait.ge [sflag:s28], $0x2000  }
0x1e8: {  	[sflag:s28] =	ssyncset.done $0x0  }
0x1e9: {  	[sflag:s28] =	ssyncadd.s32 $0xFFFFE000  }
.LBB2_17:
0x1ea: {  	_ =	swait.ge [sflag:s29], $0x2000  }
0x1eb: {  	[sflag:s29] =	ssyncset.done $0x0  }
0x1ec: {  	[sflag:s29] =	ssyncadd.s32 $0xFFFFE000  }
.LBB2_18:
0x1ed: {  	s3 =	simm.s32 $0x4100  }
0x1ee: {  	v1 =	vld [tilespmem:s3+$0x70]  }
0x1ef: {  	v2 =	vld [tilespmem:s3+$0xFFFFFF10]  }
0x1f0: {  	v3 =	vld [tilespmem:s3+$0xFFFFFF20]  }
0x1f1: {  	v4 =	vld [tilespmem:s3+$0xFFFFFF30]  }
0x1f2: {  	v5 =	vld [tilespmem:s3+$0xFFFFFF40]  }
0x1f3: {  	v6 =	vld [tilespmem:s3+$0xFFFFFF50]  }
0x1f4: {  	v8 =	vld [tilespmem:s3+$0xFFFFFF70]  }
0x1f5: {  	v9 =	vld [tilespmem:s3+$0x0]  }
0x1f6: {  	v10 =	vld [tilespmem:s3+$0x10]  }
0x1f7: {  	v12 =	vld [tilespmem:s3+$0x20]  }
0x1f8: {  	v14 =	vld [tilespmem:s3+$0x40]  }
0x1f9: {  	v15 =	vld [tilespmem:s3+$0xFFFFFF00];
	v1 =	vmul.f32 $4.000000000e+00, v1;
	v2 =	vmul.f32 $4.000000000e+00, v2  }
0x1fa: {  	v3 =	vmul.f32 $4.000000000e+00, v3;
	v4 =	vmul.f32 $4.000000000e+00, v4  }
0x1fb: {  	v5 =	vmul.f32 $4.000000000e+00, v5;
	v6 =	vmul.f32 $4.000000000e+00, v6  }
0x1fc: {  	v8 =	vmul.f32 $4.000000000e+00, v8;
	v9 =	vmul.f32 $4.000000000e+00, v9  }
0x1fd: {  	v10 =	vmul.f32 $4.000000000e+00, v10;
	v12 =	vmul.f32 $4.000000000e+00, v12  }
0x1fe: {  	v14 =	vmul.f32 $4.000000000e+00, v14;
	v15 =	vmul.f32 $4.000000000e+00, v15;
	v1 =	vmax.f32 v1, $-1.700000000e+01  }
0x1ff: {  	v2 =	vmax.f32 v2, $-1.700000000e+01;
	v3 =	vmax.f32 v3, $-1.700000000e+01;
	v5 =	vmax.f32 v5, $-1.700000000e+01  }
0x200: {  	v6 =	vmax.f32 v6, $-1.700000000e+01;
	v8 =	vmax.f32 v8, $-1.700000000e+01;
	v9 =	vmax.f32 v9, $-1.700000000e+01  }
0x201: {  	v10 =	vmax.f32 v10, $-1.700000000e+01;
	v12 =	vmax.f32 v12, $-1.700000000e+01;
	v14 =	vmax.f32 v14, $-1.700000000e+01  }
0x202: {  	v7 =	vld [tilespmem:s3+$0xFFFFFF60];
	v1 =	vmin.f32 v1, $1.600000000e+01;
	v2 =	vmin.f32 v2, $1.600000000e+01;
	v3 =	vmin.f32 v3, $1.600000000e+01  }
0x203: {  	v5 =	vmin.f32 v5, $1.600000000e+01;
	v6 =	vmin.f32 v6, $1.600000000e+01;
	v8 =	vmin.f32 v8, $1.600000000e+01  }
0x204: {  	v17 =	vmin.f32 v9, $1.600000000e+01;
	v18 =	vmin.f32 v10, $1.600000000e+01;
	v10 =	vmax.f32 v15, $-1.700000000e+01  }
0x205: {  	v19 =	vmin.f32 v12, $1.600000000e+01;
	v11 =	vtrunc.f32 v1;
	v24 =	vtrunc.f32 v8  }
0x206: {  	v21 =	vmin.f32 v14, $1.600000000e+01;
	v25 =	vtrunc.f32 v18;
	v13 =	vcvt.f32.s32 v11  }
0x207: {  	vm0 =	vlt.f32 v1, v11;
	v1 =	vmax.f32 v4, $-1.700000000e+01;
	v4 =	vmul.f32 $4.000000000e+00, v7;
	v7 =	vld [tilespmem:s3+$0x30]  }
0x208: {  	v26 =	vtrunc.f32 v19;
	v28 =	vtrunc.f32 v21;
	v11 =	vsel vm0, $0x10, v0  }
0x209: {  	vm10 =	vlt.f32 v8, v24;
	vm12 =	vlt.f32 v18, v25;
	v16 =	vadd.s32 v13, v11;
	v11 =	vld [tilespmem:s3+$0x50]  }
0x20a: {  	vm13 =	vlt.f32 v19, v26;
	v8 =	vcvt.f32.s32 v25;
	vm1 =	vlt.f32 v21, v28;
	v13 =	vld [tilespmem:s3+$0x60]  }
0x20b: {  	v1 =	vmin.f32 v1, $1.600000000e+01;
	v19 =	vsel vm10, $0x10, v0;
	v4 =	vmax.f32 v4, $-1.700000000e+01  }
0x20c: {  	v12 =	vtrunc.f32 v1;
	v4 =	vmin.f32 v4, $1.600000000e+01;
	v7 =	vmul.f32 $4.000000000e+00, v7  }
0x20d: {  	s6 =	simm.s32 $0xC100;
	vm6 =	vlt.f32 v1, v12;
	v1 =	vtrunc.f32 v17;
	v14 =	vcvt.f32.s32 v12  }
0x20e: {  	[tilespmem:s6+$0x70] =	vst v16;
	v16 =	vsel vm13, $0x10, v0;
	v7 =	vmax.f32 v7, $-1.700000000e+01;
	v11 =	vmul.f32 $4.000000000e+00, v11  }
0x20f: {  	v13 =	vmul.f32 $4.000000000e+00, v13;
	v20 =	vmin.f32 v7, $1.600000000e+01;
	v7 =	vmin.f32 v10, $1.600000000e+01  }
0x210: {  	vm11 =	vlt.f32 v17, v1;
	v11 =	vmax.f32 v11, $-1.700000000e+01;
	v10 =	vtrunc.f32 v7  }
0x211: {  	v9 =	vmax.f32 v13, $-1.700000000e+01;
	v13 =	vtrunc.f32 v6;
	v27 =	vtrunc.f32 v20  }
0x212: {  	v22 =	vmin.f32 v11, $1.600000000e+01;
	v11 =	vtrunc.f32 v2;
	v23 =	vmin.f32 v9, $1.600000000e+01  }
0x213: {  	vm2 =	vlt.f32 v7, v10;
	v7 =	vtrunc.f32 v3;
	vm7 =	vlt.f32 v6, v13  }
0x214: {  	v9 =	vcvt.f32.s32 v10;
	v6 =	vcvt.f32.s32 v26;
	vm4 =	vlt.f32 v2, v11  }
0x215: {  	v2 =	vtrunc.f32 v5;
	vm5 =	vlt.f32 v3, v7;
	v3 =	vtrunc.f32 v4  }
0x216: {  	v17 =	vsel vm12, $0x10, v0;
	v29 =	vtrunc.f32 v22;
	v30 =	vtrunc.f32 v23  }
0x217: {  	v18 =	vsel vm11, $0x10, v0;
	v15 =	vcvt.f32.s32 v11;
	v10 =	vcvt.f32.s32 v7  }
0x218: {  	vm0 =	vlt.f32 v20, v27;
	v11 =	vcvt.f32.s32 v13;
	v13 =	vcvt.f32.s32 v24  }
0x219: {  	v25 =	vsel vm2, $0x10, v0;
	vm8 =	vlt.f32 v5, v2;
	v12 =	vcvt.f32.s32 v2  }
0x21a: {  	vm9 =	vlt.f32 v4, v3;
	v7 =	vcvt.f32.s32 v3;
	v5 =	vcvt.f32.s32 v1  }
0x21b: {  	v4 =	vcvt.f32.s32 v27;
	v3 =	vcvt.f32.s32 v28;
	vm3 =	vlt.f32 v22, v29  }
0x21c: {  	v1 =	vcvt.f32.s32 v29;
	vm2 =	vlt.f32 v23, v30;
	v2 =	vcvt.f32.s32 v30  }
0x21d: {  	s19 =	simm.s32 $0x0;
	s5 =	simm.s32 $0xC180;
	v26 =	vsel vm4, $0x10, v0;
	v24 =	vsel vm5, $0x10, v0;
	v23 =	vsel vm6, $0x10, v0  }
0x21e: {  	s21 =	simm.s32 $0x4180;
	s20 =	simm.s32 $0x4300;
	s3 =	simm.s32 $0xC100;
	v22 =	vsel vm7, $0x10, v0;
	v21 =	vsel vm8, $0x10, v0;
	v20 =	vsel vm9, $0x10, v0  }
.LBB2_19:
0x21f: {  	v27 =	vld [tilespmem:s20+$0x70];
	s19 =	sadd.s32 $0x100, s19;
	v28 =	vsel vm0, $0x10, v0;
	v29 =	vsel vm1, $0x10, v0;
	v30 =	vsel vm3, $0x10, v0  }
0x220: {  	v9 =	vadd.s32 v9, v25;
	v15 =	vadd.s32 v15, v26;
	v25 =	vsel vm2, $0x10, v0;
	v31 =	vld [tilespmem:s20+$0xFFFFFF10];
	p2 =	slt.u32 s19, $0xF00  }
0x221: {  	v12 =	vadd.s32 v12, v21;
	v26 =	vld [tilespmem:s20+$0xFFFFFF20];
	[tilespmem:s6+$0xFFFFFF00] =	vst v9;
	v9 =	vadd.s32 v10, v24;
	v10 =	vadd.s32 v14, v23  }
0x222: {  	v11 =	vadd.s32 v11, v22;
	v7 =	vadd.s32 v7, v20;
	v13 =	vadd.s32 v13, v19;
	v14 =	vld [tilespmem:s20+$0xFFFFFF30];
	[tilespmem:s6+$0xFFFFFF10] =	vst v15  }
0x223: {  	v5 =	vadd.s32 v5, v18;
	v8 =	vadd.s32 v8, v17;
	v6 =	vadd.s32 v6, v16;
	v15 =	vld [tilespmem:s20+$0xFFFFFF40];
	[tilespmem:s6+$0xFFFFFF20] =	vst v9  }
0x224: {  	v4 =	vadd.s32 v4, v28;
	v3 =	vadd.s32 v3, v29;
	v9 =	vld [tilespmem:s20+$0xFFFFFF50];
	v16 =	vmul.f32 $4.000000000e+00, v27;
	[tilespmem:s6+$0xFFFFFF30] =	vst v10  }
0x225: {  	v1 =	vadd.s32 v1, v30;
	v2 =	vadd.s32 v2, v25;
	v10 =	vmul.f32 $4.000000000e+00, v31;
	v17 =	vld [tilespmem:s20+$0xFFFFFF60];
	[tilespmem:s6+$0xFFFFFF40] =	vst v12  }
0x226: {  	v12 =	vmul.f32 $4.000000000e+00, v26;
	v18 =	vld [tilespmem:s20+$0xFFFFFF70];
	v16 =	vmax.f32 v16, $-1.700000000e+01;
	[tilespmem:s6+$0xFFFFFF50] =	vst v11  }
0x227: {  	v10 =	vmax.f32 v10, $-1.700000000e+01;
	v11 =	vmul.f32 $4.000000000e+00, v14;
	v14 =	vld [tilespmem:s20+$0x0];
	v16 =	vmin.f32 v16, $1.600000000e+01;
	[tilespmem:s6+$0xFFFFFF60] =	vst v7  }
0x228: {  	v7 =	vmax.f32 v12, $-1.700000000e+01;
	v12 =	vmul.f32 $4.000000000e+00, v15;
	v15 =	vld [tilespmem:s20+$0x10];
	v19 =	vtrunc.f32 v16;
	[tilespmem:s6+$0xFFFFFF70] =	vst v13  }
0x229: {  	v9 =	vmul.f32 $4.000000000e+00, v9;
	v13 =	vld [tilespmem:s20+$0x20];
	v20 =	vcvt.f32.s32 v19;
	vm0 =	vlt.f32 v16, v19;
	[tilespmem:s6+$0x0] =	vst v5  }
0x22a: {  	v5 =	vmax.f32 v11, $-1.700000000e+01;
	v11 =	vmul.f32 $4.000000000e+00, v17;
	v16 =	vld [tilespmem:s20+$0x30];
	v17 =	vsel vm0, $0x10, v0;
	[tilespmem:s6+$0x10] =	vst v8  }
0x22b: {  	v8 =	vmax.f32 v12, $-1.700000000e+01;
	s6 =	sadd.s32 $0x200, s6;
	v12 =	vmul.f32 $4.000000000e+00, v18;
	v18 =	vld [tilespmem:s20+$0x40];
	v17 =	vadd.s32 v20, v17;
	[tilespmem:s3+$0x20] =	vst v6  }
0x22c: {  	v6 =	vmax.f32 v9, $-1.700000000e+01;
	v9 =	vmax.f32 v11, $-1.700000000e+01;
	v11 =	vmul.f32 $4.000000000e+00, v14;
	v14 =	vld [tilespmem:s20+$0x50];
	[tilespmem:s6+$0x70] =	vst v17  }
0x22d: {  	v10 =	vmin.f32 v10, $1.600000000e+01;
	v12 =	vmax.f32 v12, $-1.700000000e+01;
	v15 =	vmul.f32 $4.000000000e+00, v15;
	v17 =	vld [tilespmem:s20+$0x60];
	[tilespmem:s3+$0x30] =	vst v4  }
0x22e: {  	v7 =	vmin.f32 v7, $1.600000000e+01;
	v4 =	vld [tilespmem:s20+$0xFFFFFF00];
	v11 =	vmax.f32 v11, $-1.700000000e+01;
	v13 =	vmul.f32 $4.000000000e+00, v13;
	[tilespmem:s3+$0x40] =	vst v3  }
0x22f: {  	v3 =	vmin.f32 v5, $1.600000000e+01;
	v5 =	vmax.f32 v15, $-1.700000000e+01;
	v15 =	vmul.f32 $4.000000000e+00, v16;
	[tilespmem:s3+$0x50] =	vst v1  }
0x230: {  	v1 =	vmin.f32 v8, $1.600000000e+01;
	v8 =	vmax.f32 v13, $-1.700000000e+01;
	v13 =	vmul.f32 $4.000000000e+00, v18;
	[tilespmem:s3+$0x60] =	vst v2;
	s3 =	smov.u32 s6  }
0x231: {  	v2 =	vmin.f32 v6, $1.600000000e+01;
	v6 =	vmax.f32 v15, $-1.700000000e+01;
	v14 =	vmul.f32 $4.000000000e+00, v14  }
0x232: {  	v15 =	vmin.f32 v9, $1.600000000e+01;
	v9 =	vmax.f32 v13, $-1.700000000e+01;
	v13 =	vmul.f32 $4.000000000e+00, v17  }
0x233: {  	v12 =	vmin.f32 v12, $1.600000000e+01;
	v4 =	vmul.f32 $4.000000000e+00, v4;
	v14 =	vmax.f32 v14, $-1.700000000e+01  }
0x234: {  	v11 =	vmin.f32 v11, $1.600000000e+01;
	v5 =	vmin.f32 v5, $1.600000000e+01;
	v13 =	vmax.f32 v13, $-1.700000000e+01  }
0x235: {  	v8 =	vmin.f32 v8, $1.600000000e+01;
	v16 =	vmin.f32 v6, $1.600000000e+01;
	v4 =	vmax.f32 v4, $-1.700000000e+01  }
0x236: {  	v17 =	vmin.f32 v9, $1.600000000e+01;
	v18 =	vmin.f32 v14, $1.600000000e+01;
	v4 =	vmin.f32 v4, $1.600000000e+01  }
0x237: {  	v14 =	vtrunc.f32 v10;
	v19 =	vmin.f32 v13, $1.600000000e+01;
	v6 =	vtrunc.f32 v4  }
0x238: {  	v13 =	vtrunc.f32 v3;
	vm2 =	vlt.f32 v4, v6;
	v4 =	vtrunc.f32 v7  }
0x239: {  	v20 =	vtrunc.f32 v1;
	v21 =	vtrunc.f32 v2;
	vm4 =	vlt.f32 v10, v14  }
0x23a: {  	v22 =	vtrunc.f32 v12;
	vm5 =	vlt.f32 v7, v4;
	v7 =	vtrunc.f32 v15  }
0x23b: {  	v23 =	vtrunc.f32 v5;
	vm6 =	vlt.f32 v3, v13;
	v3 =	vtrunc.f32 v11  }
0x23c: {  	vm7 =	vlt.f32 v1, v20;
	v1 =	vtrunc.f32 v8;
	v24 =	vtrunc.f32 v16  }
0x23d: {  	vm8 =	vlt.f32 v2, v21;
	v2 =	vtrunc.f32 v17;
	v25 =	vtrunc.f32 v18  }
0x23e: {  	v27 =	vtrunc.f32 v19;
	v9 =	vcvt.f32.s32 v6;
	vm9 =	vlt.f32 v15, v7  }
0x23f: {  	vm10 =	vlt.f32 v12, v22;
	v10 =	vcvt.f32.s32 v4;
	v15 =	vcvt.f32.s32 v14  }
0x240: {  	v12 =	vcvt.f32.s32 v20;
	vm11 =	vlt.f32 v11, v3;
	v14 =	vcvt.f32.s32 v13  }
0x241: {  	vm12 =	vlt.f32 v5, v23;
	v11 =	vcvt.f32.s32 v21;
	v7 =	vcvt.f32.s32 v7  }
0x242: {  	vm13 =	vlt.f32 v8, v1;
	v5 =	vcvt.f32.s32 v3;
	v13 =	vcvt.f32.s32 v22  }
0x243: {  	v8 =	vcvt.f32.s32 v23;
	vm0 =	vlt.f32 v16, v24;
	v6 =	vcvt.f32.s32 v1  }
0x244: {  	vm1 =	vlt.f32 v17, v2;
	v3 =	vcvt.f32.s32 v2;
	v4 =	vcvt.f32.s32 v24  }
.Ltmp10:
0x245: {  	vm3 =	vlt.f32 v18, v25;
	v2 =	vcvt.f32.s32 v27;
	v1 =	vcvt.f32.s32 v25;
	(pc) =	sbr.rel @p2 .LBB2_19-.Ltmp10, $4  }
0x246: {  	v26 =	vsel vm4, $0x10, v0;
	v25 =	vsel vm2, $0x10, v0;
	vm2 =	vlt.f32 v19, v27  }
0x247: {  	v23 =	vsel vm6, $0x10, v0;
	v21 =	vsel vm7, $0x10, v0;
	v24 =	vsel vm5, $0x10, v0  }
0x248: {  	v19 =	vsel vm10, $0x10, v0;
	v22 =	vsel vm8, $0x10, v0;
	v20 =	vsel vm9, $0x10, v0  }
0x249: {  	s20 =	sadd.s32 $0x200, s20;
	v16 =	vsel vm13, $0x10, v0;
	v17 =	vsel vm12, $0x10, v0;
	v18 =	vsel vm11, $0x10, v0  }
0x24a: {  	v9 =	vadd.s32 v9, v25  }
0x24b: {  	v15 =	vadd.s32 v15, v26;
	[tilespmem:s6+$0xFFFFFF00] =	vst v9  }
0x24c: {  	v7 =	vadd.s32 v7, v20;
	[tilespmem:s6+$0xFFFFFF10] =	vst v15  }
0x24d: {  	v5 =	vadd.s32 v5, v18;
	[tilespmem:s6+$0xFFFFFF60] =	vst v7  }
0x24e: {  	v6 =	vadd.s32 v6, v16;
	[tilespmem:s6+$0x0] =	vst v5  }
0x24f: {  	v9 =	vadd.s32 v10, v24;
	[tilespmem:s3+$0x20] =	vst v6  }
0x250: {  	v10 =	vadd.s32 v14, v23;
	[tilespmem:s6+$0xFFFFFF20] =	vst v9  }
0x251: {  	v7 =	vadd.s32 v8, v17;
	[tilespmem:s6+$0xFFFFFF30] =	vst v10  }
0x252: {  	v9 =	vadd.s32 v12, v21;
	[tilespmem:s6+$0x10] =	vst v7  }
0x253: {  	v5 =	vsel vm0, $0x10, v0;
	v10 =	vadd.s32 v11, v22;
	[tilespmem:s6+$0xFFFFFF40] =	vst v9  }
0x254: {  	v4 =	vadd.s32 v4, v5;
	[tilespmem:s6+$0xFFFFFF50] =	vst v10  }
0x255: {  	v7 =	vsel vm1, $0x10, v0;
	v9 =	vadd.s32 v13, v19;
	[tilespmem:s3+$0x30] =	vst v4  }
0x256: {  	v5 =	vsel vm3, $0x10, v0;
	v3 =	vadd.s32 v3, v7;
	[tilespmem:s6+$0xFFFFFF70] =	vst v9  }
0x257: {  	v4 =	vsel vm2, $0x10, v0;
	v1 =	vadd.s32 v1, v5;
	[tilespmem:s3+$0x40] =	vst v3  }
0x258: {  	v2 =	vadd.s32 v2, v4;
	[tilespmem:s3+$0x50] =	vst v1  }
0x259: {  	[tilespmem:s3+$0x60] =	vst v2  }
0x25a: {  	v1 =	vld [tilespmem:s21+$0x70]  }
0x25b: {  	v2 =	vld [tilespmem:s21+$0xFFFFFF10]  }
0x25c: {  	v3 =	vld [tilespmem:s21+$0xFFFFFF20]  }
0x25d: {  	v4 =	vld [tilespmem:s21+$0xFFFFFF30]  }
0x25e: {  	v5 =	vld [tilespmem:s21+$0xFFFFFF40]  }
0x25f: {  	v6 =	vld [tilespmem:s21+$0xFFFFFF50]  }
0x260: {  	v8 =	vld [tilespmem:s21+$0xFFFFFF70]  }
0x261: {  	v9 =	vld [tilespmem:s21+$0x0]  }
0x262: {  	v10 =	vld [tilespmem:s21+$0x10]  }
0x263: {  	v12 =	vld [tilespmem:s21+$0x20]  }
0x264: {  	v14 =	vld [tilespmem:s21+$0x40]  }
0x265: {  	v15 =	vld [tilespmem:s21+$0xFFFFFF00];
	v1 =	vmul.f32 $4.000000000e+00, v1;
	v2 =	vmul.f32 $4.000000000e+00, v2  }
0x266: {  	v3 =	vmul.f32 $4.000000000e+00, v3;
	v4 =	vmul.f32 $4.000000000e+00, v4  }
0x267: {  	v5 =	vmul.f32 $4.000000000e+00, v5;
	v6 =	vmul.f32 $4.000000000e+00, v6  }
0x268: {  	v8 =	vmul.f32 $4.000000000e+00, v8;
	v9 =	vmul.f32 $4.000000000e+00, v9  }
0x269: {  	v10 =	vmul.f32 $4.000000000e+00, v10;
	v12 =	vmul.f32 $4.000000000e+00, v12  }
0x26a: {  	v14 =	vmul.f32 $4.000000000e+00, v14;
	v15 =	vmul.f32 $4.000000000e+00, v15;
	v1 =	vmax.f32 v1, $-1.700000000e+01  }
0x26b: {  	v2 =	vmax.f32 v2, $-1.700000000e+01;
	v3 =	vmax.f32 v3, $-1.700000000e+01;
	v5 =	vmax.f32 v5, $-1.700000000e+01  }
0x26c: {  	v6 =	vmax.f32 v6, $-1.700000000e+01;
	v8 =	vmax.f32 v8, $-1.700000000e+01;
	v9 =	vmax.f32 v9, $-1.700000000e+01  }
0x26d: {  	v10 =	vmax.f32 v10, $-1.700000000e+01;
	v12 =	vmax.f32 v12, $-1.700000000e+01;
	v14 =	vmax.f32 v14, $-1.700000000e+01  }
0x26e: {  	v7 =	vld [tilespmem:s21+$0xFFFFFF60];
	v1 =	vmin.f32 v1, $1.600000000e+01;
	v2 =	vmin.f32 v2, $1.600000000e+01;
	v3 =	vmin.f32 v3, $1.600000000e+01  }
0x26f: {  	v5 =	vmin.f32 v5, $1.600000000e+01;
	v6 =	vmin.f32 v6, $1.600000000e+01;
	v8 =	vmin.f32 v8, $1.600000000e+01  }
0x270: {  	v17 =	vmin.f32 v9, $1.600000000e+01;
	v18 =	vmin.f32 v10, $1.600000000e+01;
	v10 =	vmax.f32 v15, $-1.700000000e+01  }
0x271: {  	v19 =	vmin.f32 v12, $1.600000000e+01;
	v11 =	vtrunc.f32 v1;
	v24 =	vtrunc.f32 v8  }
0x272: {  	v21 =	vmin.f32 v14, $1.600000000e+01;
	v25 =	vtrunc.f32 v18;
	v13 =	vcvt.f32.s32 v11  }
0x273: {  	vm0 =	vlt.f32 v1, v11;
	v1 =	vmax.f32 v4, $-1.700000000e+01;
	v4 =	vmul.f32 $4.000000000e+00, v7;
	v7 =	vld [tilespmem:s21+$0x30]  }
0x274: {  	v26 =	vtrunc.f32 v19;
	v28 =	vtrunc.f32 v21;
	v11 =	vsel vm0, $0x10, v0  }
0x275: {  	vm10 =	vlt.f32 v8, v24;
	vm12 =	vlt.f32 v18, v25;
	v16 =	vadd.s32 v13, v11;
	v11 =	vld [tilespmem:s21+$0x50]  }
0x276: {  	vm13 =	vlt.f32 v19, v26;
	v8 =	vcvt.f32.s32 v25;
	vm1 =	vlt.f32 v21, v28;
	v13 =	vld [tilespmem:s21+$0x60]  }
0x277: {  	v1 =	vmin.f32 v1, $1.600000000e+01;
	v19 =	vsel vm10, $0x10, v0;
	v4 =	vmax.f32 v4, $-1.700000000e+01  }
0x278: {  	v12 =	vtrunc.f32 v1;
	v4 =	vmin.f32 v4, $1.600000000e+01;
	v7 =	vmul.f32 $4.000000000e+00, v7  }
0x279: {  	vm6 =	vlt.f32 v1, v12;
	v1 =	vtrunc.f32 v17;
	v14 =	vcvt.f32.s32 v12  }
0x27a: {  	[tilespmem:s5+$0x70] =	vst v16;
	v16 =	vsel vm13, $0x10, v0;
	v7 =	vmax.f32 v7, $-1.700000000e+01;
	v11 =	vmul.f32 $4.000000000e+00, v11  }
0x27b: {  	v13 =	vmul.f32 $4.000000000e+00, v13;
	v20 =	vmin.f32 v7, $1.600000000e+01;
	v7 =	vmin.f32 v10, $1.600000000e+01  }
0x27c: {  	vm11 =	vlt.f32 v17, v1;
	v11 =	vmax.f32 v11, $-1.700000000e+01;
	v10 =	vtrunc.f32 v7  }
0x27d: {  	v9 =	vmax.f32 v13, $-1.700000000e+01;
	v13 =	vtrunc.f32 v6;
	v27 =	vtrunc.f32 v20  }
0x27e: {  	v22 =	vmin.f32 v11, $1.600000000e+01;
	v11 =	vtrunc.f32 v2;
	v23 =	vmin.f32 v9, $1.600000000e+01  }
0x27f: {  	vm2 =	vlt.f32 v7, v10;
	v7 =	vtrunc.f32 v3;
	vm8 =	vlt.f32 v6, v13  }
0x280: {  	v9 =	vcvt.f32.s32 v10;
	v6 =	vcvt.f32.s32 v26;
	vm4 =	vlt.f32 v2, v11  }
0x281: {  	v2 =	vtrunc.f32 v5;
	vm5 =	vlt.f32 v3, v7;
	v3 =	vtrunc.f32 v4  }
0x282: {  	v17 =	vsel vm12, $0x10, v0;
	v29 =	vtrunc.f32 v22;
	v30 =	vtrunc.f32 v23  }
0x283: {  	v18 =	vsel vm11, $0x10, v0;
	v15 =	vcvt.f32.s32 v11;
	v10 =	vcvt.f32.s32 v7  }
0x284: {  	vm0 =	vlt.f32 v20, v27;
	v11 =	vcvt.f32.s32 v13;
	v13 =	vcvt.f32.s32 v24  }
0x285: {  	v25 =	vsel vm2, $0x10, v0;
	v21 =	vsel vm8, $0x10, v0;
	v12 =	vcvt.f32.s32 v2  }
0x286: {  	vm7 =	vlt.f32 v5, v2;
	v7 =	vcvt.f32.s32 v3;
	v5 =	vcvt.f32.s32 v1  }
0x287: {  	vm9 =	vlt.f32 v4, v3;
	v4 =	vcvt.f32.s32 v27;
	v3 =	vcvt.f32.s32 v28  }
0x288: {  	vm3 =	vlt.f32 v22, v29;
	v1 =	vcvt.f32.s32 v29;
	vm2 =	vlt.f32 v23, v30  }
0x289: {  	v2 =	vcvt.f32.s32 v30;
	v26 =	vsel vm4, $0x10, v0;
	v24 =	vsel vm5, $0x10, v0  }
0x28a: {  	s19 =	simm.s32 $0x4380;
	s6 =	simm.s32 $0x0;
	s3 =	simm.s32 $0xC180;
	v23 =	vsel vm6, $0x10, v0;
	v22 =	vsel vm7, $0x10, v0;
	v20 =	vsel vm9, $0x10, v0  }
.LBB2_21:
0x28b: {  	v27 =	vld [tilespmem:s19+$0x70];
	s6 =	sadd.s32 $0x100, s6;
	v28 =	vsel vm0, $0x10, v0;
	v29 =	vsel vm1, $0x10, v0;
	v30 =	vsel vm3, $0x10, v0  }
0x28c: {  	v9 =	vadd.s32 v9, v25;
	v15 =	vadd.s32 v15, v26;
	v25 =	vsel vm2, $0x10, v0;
	v31 =	vld [tilespmem:s19+$0xFFFFFF10];
	p2 =	slt.u32 s6, $0xF00  }
0x28d: {  	v12 =	vadd.s32 v12, v22;
	v26 =	vld [tilespmem:s19+$0xFFFFFF20];
	[tilespmem:s5+$0xFFFFFF00] =	vst v9;
	v9 =	vadd.s32 v10, v24;
	v10 =	vadd.s32 v14, v23  }
0x28e: {  	v11 =	vadd.s32 v11, v21;
	v7 =	vadd.s32 v7, v20;
	v13 =	vadd.s32 v13, v19;
	v14 =	vld [tilespmem:s19+$0xFFFFFF30];
	[tilespmem:s5+$0xFFFFFF10] =	vst v15  }
0x28f: {  	v5 =	vadd.s32 v5, v18;
	v8 =	vadd.s32 v8, v17;
	v6 =	vadd.s32 v6, v16;
	v15 =	vld [tilespmem:s19+$0xFFFFFF40];
	[tilespmem:s5+$0xFFFFFF20] =	vst v9  }
0x290: {  	v4 =	vadd.s32 v4, v28;
	v3 =	vadd.s32 v3, v29;
	v9 =	vld [tilespmem:s19+$0xFFFFFF50];
	v16 =	vmul.f32 $4.000000000e+00, v27;
	[tilespmem:s5+$0xFFFFFF30] =	vst v10  }
0x291: {  	v1 =	vadd.s32 v1, v30;
	v2 =	vadd.s32 v2, v25;
	v10 =	vmul.f32 $4.000000000e+00, v31;
	v17 =	vld [tilespmem:s19+$0xFFFFFF60];
	[tilespmem:s5+$0xFFFFFF40] =	vst v12  }
0x292: {  	v12 =	vmul.f32 $4.000000000e+00, v26;
	v18 =	vld [tilespmem:s19+$0xFFFFFF70];
	v16 =	vmax.f32 v16, $-1.700000000e+01;
	[tilespmem:s5+$0xFFFFFF50] =	vst v11  }
0x293: {  	v10 =	vmax.f32 v10, $-1.700000000e+01;
	v11 =	vmul.f32 $4.000000000e+00, v14;
	v14 =	vld [tilespmem:s19+$0x0];
	v16 =	vmin.f32 v16, $1.600000000e+01;
	[tilespmem:s5+$0xFFFFFF60] =	vst v7  }
0x294: {  	v7 =	vmax.f32 v12, $-1.700000000e+01;
	v12 =	vmul.f32 $4.000000000e+00, v15;
	v15 =	vld [tilespmem:s19+$0x10];
	v19 =	vtrunc.f32 v16;
	[tilespmem:s5+$0xFFFFFF70] =	vst v13  }
0x295: {  	v9 =	vmul.f32 $4.000000000e+00, v9;
	v13 =	vld [tilespmem:s19+$0x20];
	v20 =	vcvt.f32.s32 v19;
	vm0 =	vlt.f32 v16, v19;
	[tilespmem:s5+$0x0] =	vst v5  }
0x296: {  	v5 =	vmax.f32 v11, $-1.700000000e+01;
	v11 =	vmul.f32 $4.000000000e+00, v17;
	v16 =	vld [tilespmem:s19+$0x30];
	v17 =	vsel vm0, $0x10, v0;
	[tilespmem:s5+$0x10] =	vst v8  }
0x297: {  	v8 =	vmax.f32 v12, $-1.700000000e+01;
	s5 =	sadd.s32 $0x200, s5;
	v12 =	vmul.f32 $4.000000000e+00, v18;
	v18 =	vld [tilespmem:s19+$0x40];
	v17 =	vadd.s32 v20, v17;
	[tilespmem:s3+$0x20] =	vst v6  }
0x298: {  	v6 =	vmax.f32 v9, $-1.700000000e+01;
	v9 =	vmax.f32 v11, $-1.700000000e+01;
	v11 =	vmul.f32 $4.000000000e+00, v14;
	v14 =	vld [tilespmem:s19+$0x50];
	[tilespmem:s5+$0x70] =	vst v17  }
0x299: {  	v10 =	vmin.f32 v10, $1.600000000e+01;
	v12 =	vmax.f32 v12, $-1.700000000e+01;
	v15 =	vmul.f32 $4.000000000e+00, v15;
	v17 =	vld [tilespmem:s19+$0x60];
	[tilespmem:s3+$0x30] =	vst v4  }
0x29a: {  	v7 =	vmin.f32 v7, $1.600000000e+01;
	v4 =	vld [tilespmem:s19+$0xFFFFFF00];
	v11 =	vmax.f32 v11, $-1.700000000e+01;
	v13 =	vmul.f32 $4.000000000e+00, v13;
	[tilespmem:s3+$0x40] =	vst v3  }
0x29b: {  	v3 =	vmin.f32 v5, $1.600000000e+01;
	v5 =	vmax.f32 v15, $-1.700000000e+01;
	v15 =	vmul.f32 $4.000000000e+00, v16;
	[tilespmem:s3+$0x50] =	vst v1  }
0x29c: {  	v1 =	vmin.f32 v8, $1.600000000e+01;
	v8 =	vmax.f32 v13, $-1.700000000e+01;
	v13 =	vmul.f32 $4.000000000e+00, v18;
	[tilespmem:s3+$0x60] =	vst v2;
	s3 =	smov.u32 s5  }
0x29d: {  	v2 =	vmin.f32 v6, $1.600000000e+01;
	v6 =	vmax.f32 v15, $-1.700000000e+01;
	v14 =	vmul.f32 $4.000000000e+00, v14  }
0x29e: {  	v15 =	vmin.f32 v9, $1.600000000e+01;
	v9 =	vmax.f32 v13, $-1.700000000e+01;
	v13 =	vmul.f32 $4.000000000e+00, v17  }
0x29f: {  	v12 =	vmin.f32 v12, $1.600000000e+01;
	v4 =	vmul.f32 $4.000000000e+00, v4;
	v14 =	vmax.f32 v14, $-1.700000000e+01  }
0x2a0: {  	v11 =	vmin.f32 v11, $1.600000000e+01;
	v5 =	vmin.f32 v5, $1.600000000e+01;
	v13 =	vmax.f32 v13, $-1.700000000e+01  }
0x2a1: {  	v8 =	vmin.f32 v8, $1.600000000e+01;
	v16 =	vmin.f32 v6, $1.600000000e+01;
	v4 =	vmax.f32 v4, $-1.700000000e+01  }
0x2a2: {  	v17 =	vmin.f32 v9, $1.600000000e+01;
	v18 =	vmin.f32 v14, $1.600000000e+01;
	v4 =	vmin.f32 v4, $1.600000000e+01  }
0x2a3: {  	v14 =	vtrunc.f32 v10;
	v19 =	vmin.f32 v13, $1.600000000e+01;
	v6 =	vtrunc.f32 v4  }
0x2a4: {  	v13 =	vtrunc.f32 v3;
	vm2 =	vlt.f32 v4, v6;
	v4 =	vtrunc.f32 v7  }
0x2a5: {  	v20 =	vtrunc.f32 v1;
	v21 =	vtrunc.f32 v2;
	vm4 =	vlt.f32 v10, v14  }
0x2a6: {  	v22 =	vtrunc.f32 v12;
	vm5 =	vlt.f32 v7, v4;
	v7 =	vtrunc.f32 v15  }
0x2a7: {  	v23 =	vtrunc.f32 v5;
	vm6 =	vlt.f32 v3, v13;
	v3 =	vtrunc.f32 v11  }
0x2a8: {  	vm7 =	vlt.f32 v1, v20;
	v1 =	vtrunc.f32 v8;
	v24 =	vtrunc.f32 v16  }
0x2a9: {  	vm8 =	vlt.f32 v2, v21;
	v2 =	vtrunc.f32 v17;
	v25 =	vtrunc.f32 v18  }
0x2aa: {  	v27 =	vtrunc.f32 v19;
	v9 =	vcvt.f32.s32 v6;
	vm9 =	vlt.f32 v15, v7  }
0x2ab: {  	vm10 =	vlt.f32 v12, v22;
	v10 =	vcvt.f32.s32 v4;
	v15 =	vcvt.f32.s32 v14  }
0x2ac: {  	v12 =	vcvt.f32.s32 v20;
	vm11 =	vlt.f32 v11, v3;
	v14 =	vcvt.f32.s32 v13  }
0x2ad: {  	vm12 =	vlt.f32 v5, v23;
	v11 =	vcvt.f32.s32 v21;
	v7 =	vcvt.f32.s32 v7  }
0x2ae: {  	vm13 =	vlt.f32 v8, v1;
	v5 =	vcvt.f32.s32 v3;
	v13 =	vcvt.f32.s32 v22  }
0x2af: {  	v8 =	vcvt.f32.s32 v23;
	vm0 =	vlt.f32 v16, v24;
	v6 =	vcvt.f32.s32 v1  }
0x2b0: {  	vm1 =	vlt.f32 v17, v2;
	v3 =	vcvt.f32.s32 v2;
	v4 =	vcvt.f32.s32 v24  }
.Ltmp11:
0x2b1: {  	vm3 =	vlt.f32 v18, v25;
	v2 =	vcvt.f32.s32 v27;
	v1 =	vcvt.f32.s32 v25;
	(pc) =	sbr.rel @p2 .LBB2_21-.Ltmp11, $4  }
0x2b2: {  	v26 =	vsel vm4, $0x10, v0;
	v25 =	vsel vm2, $0x10, v0;
	vm2 =	vlt.f32 v19, v27  }
0x2b3: {  	v23 =	vsel vm6, $0x10, v0;
	v24 =	vsel vm5, $0x10, v0;
	v22 =	vsel vm7, $0x10, v0  }
0x2b4: {  	v21 =	vsel vm8, $0x10, v0;
	v19 =	vsel vm10, $0x10, v0;
	v20 =	vsel vm9, $0x10, v0  }
0x2b5: {  	s19 =	sadd.s32 $0x200, s19;
	v16 =	vsel vm13, $0x10, v0;
	v17 =	vsel vm12, $0x10, v0;
	v18 =	vsel vm11, $0x10, v0  }
0x2b6: {  	v9 =	vadd.s32 v9, v25  }
0x2b7: {  	v15 =	vadd.s32 v15, v26;
	[tilespmem:s5+$0xFFFFFF00] =	vst v9  }
0x2b8: {  	v54 =	vadd.s32 v10, v24;
	[tilespmem:s5+$0xFFFFFF10] =	vst v15  }
0x2b9: {  	v55 =	vadd.s32 v14, v23;
	[tilespmem:s5+$0xFFFFFF20] =	vst v54  }
0x2ba: {  	v56 =	vadd.s32 v12, v22;
	[tilespmem:s5+$0xFFFFFF30] =	vst v55  }
0x2bb: {  	v57 =	vadd.s32 v11, v21;
	[tilespmem:s5+$0xFFFFFF40] =	vst v56  }
0x2bc: {  	v7 =	vadd.s32 v7, v20;
	[tilespmem:s5+$0xFFFFFF50] =	vst v57  }
0x2bd: {  	v58 =	vadd.s32 v13, v19;
	[tilespmem:s5+$0xFFFFFF60] =	vst v7  }
0x2be: {  	v5 =	vadd.s32 v5, v18;
	[tilespmem:s5+$0xFFFFFF70] =	vst v58  }
0x2bf: {  	v59 =	vadd.s32 v8, v17;
	[tilespmem:s5+$0x0] =	vst v5  }
0x2c0: {  	v60 =	vsel vm0, $0x10, v0;
	v6 =	vadd.s32 v6, v16;
	[tilespmem:s5+$0x10] =	vst v59  }
0x2c1: {  	v61 =	vsel vm1, $0x10, v0;
	v4 =	vadd.s32 v4, v60;
	[tilespmem:s3+$0x20] =	vst v6  }
.Ltmp12:
0x2c2: {  	v62 =	vsel vm3, $0x10, v0;
	v3 =	vadd.s32 v3, v61;
	[tilespmem:s3+$0x30] =	vst v4;
	(pc) =	sbr.rel @p1 .LBB2_24-.Ltmp12, $4  }
0x2c3: {  	v63 =	vsel vm2, $0x10, v0;
	v1 =	vadd.s32 v1, v62;
	[tilespmem:s3+$0x40] =	vst v3  }
0x2c4: {  	v2 =	vadd.s32 v2, v63;
	[tilespmem:s3+$0x50] =	vst v1  }
0x2c5: {  	s21 =	sadd.s32 s8, s12;
	[tilespmem:s3+$0x60] =	vst v2  }
0x2c6: {  	[hbm4b:s21+s17] =	stream.strided.scatter [tilespmem:s30], [sflag:$0x7], $0x2000, s18, s17, $0x38;
	[tilespmem:$0x10000] =	vst v63  }
.Ltmp13:
0x2c7: {  	(pc) =	sbr.rel .LBB2_25-.Ltmp13, $4  }
0x2c8: {  	_ = 	snop  }
0x2c9: {  	_ =	swait.ge [sflag:s31], $0x2000  }
0x2ca: {  	[sflag:s31] =	ssyncset.done $0x0  }
0x2cb: {  	[sflag:s31] =	ssyncadd.s32 $0xFFFFE000  }
.LBB2_24:
.Ltmp14:
0x2cc: {  	s3 =	sadd.s32 s8, s13;
	s5 =	simm.s32 $0x4000;
	(pc) =	sbr.rel @p0 .LBB2_26-.Ltmp14, $4  }
0x2cd: {  	[tilespmem:s5], [sflag:$0x3] =	stream.strided.gather [hbm4b:s3+s17], $0x2000, s18, s17, $0x38;
	[tilespmem:$0x10000] =	vst v63  }
0x2ce: {  	_ =	swait.ge [sflag:s31], $0x2000  }
0x2cf: {  	[sflag:s31] =	ssyncset.done $0x0  }
0x2d0: {  	[sflag:s31] =	ssyncadd.s32 $0xFFFFE000  }
.LBB2_25:
0x2d1: {  	_ =	swait.ge [sflag:s0], $0x2000  }
0x2d2: {  	[sflag:s0] =	ssyncset.done $0x0  }
0x2d3: {  	[sflag:s0] =	ssyncadd.s32 $0xFFFFE000  }
.LBB2_26:
0x2d4: {  	s3 =	simm.s32 $0x6100  }
0x2d5: {  	v1 =	vld [tilespmem:s3+$0x70]  }
0x2d6: {  	v2 =	vld [tilespmem:s3+$0xFFFFFF10]  }
0x2d7: {  	v3 =	vld [tilespmem:s3+$0xFFFFFF20]  }
0x2d8: {  	v4 =	vld [tilespmem:s3+$0xFFFFFF30]  }
0x2d9: {  	v5 =	vld [tilespmem:s3+$0xFFFFFF40]  }
0x2da: {  	v6 =	vld [tilespmem:s3+$0xFFFFFF50]  }
0x2db: {  	v8 =	vld [tilespmem:s3+$0xFFFFFF70]  }
0x2dc: {  	v9 =	vld [tilespmem:s3+$0x0]  }
0x2dd: {  	v10 =	vld [tilespmem:s3+$0x10]  }
0x2de: {  	v12 =	vld [tilespmem:s3+$0x20]  }
0x2df: {  	v14 =	vld [tilespmem:s3+$0x40]  }
0x2e0: {  	v15 =	vld [tilespmem:s3+$0xFFFFFF00];
	v1 =	vmul.f32 $4.000000000e+00, v1;
	v2 =	vmul.f32 $4.000000000e+00, v2  }
0x2e1: {  	v3 =	vmul.f32 $4.000000000e+00, v3;
	v4 =	vmul.f32 $4.000000000e+00, v4  }
0x2e2: {  	v5 =	vmul.f32 $4.000000000e+00, v5;
	v6 =	vmul.f32 $4.000000000e+00, v6  }
0x2e3: {  	v8 =	vmul.f32 $4.000000000e+00, v8;
	v9 =	vmul.f32 $4.000000000e+00, v9  }
0x2e4: {  	v10 =	vmul.f32 $4.000000000e+00, v10;
	v12 =	vmul.f32 $4.000000000e+00, v12  }
0x2e5: {  	v14 =	vmul.f32 $4.000000000e+00, v14;
	v15 =	vmul.f32 $4.000000000e+00, v15;
	v1 =	vmax.f32 v1, $-1.700000000e+01  }
0x2e6: {  	v2 =	vmax.f32 v2, $-1.700000000e+01;
	v3 =	vmax.f32 v3, $-1.700000000e+01;
	v5 =	vmax.f32 v5, $-1.700000000e+01  }
0x2e7: {  	v6 =	vmax.f32 v6, $-1.700000000e+01;
	v8 =	vmax.f32 v8, $-1.700000000e+01;
	v9 =	vmax.f32 v9, $-1.700000000e+01  }
0x2e8: {  	v10 =	vmax.f32 v10, $-1.700000000e+01;
	v12 =	vmax.f32 v12, $-1.700000000e+01;
	v14 =	vmax.f32 v14, $-1.700000000e+01  }
0x2e9: {  	v7 =	vld [tilespmem:s3+$0xFFFFFF60];
	v1 =	vmin.f32 v1, $1.600000000e+01;
	v2 =	vmin.f32 v2, $1.600000000e+01;
	v3 =	vmin.f32 v3, $1.600000000e+01  }
0x2ea: {  	v5 =	vmin.f32 v5, $1.600000000e+01;
	v6 =	vmin.f32 v6, $1.600000000e+01;
	v8 =	vmin.f32 v8, $1.600000000e+01  }
0x2eb: {  	v17 =	vmin.f32 v9, $1.600000000e+01;
	v18 =	vmin.f32 v10, $1.600000000e+01;
	v10 =	vmax.f32 v15, $-1.700000000e+01  }
0x2ec: {  	v19 =	vmin.f32 v12, $1.600000000e+01;
	v11 =	vtrunc.f32 v1;
	v24 =	vtrunc.f32 v8  }
0x2ed: {  	v21 =	vmin.f32 v14, $1.600000000e+01;
	v25 =	vtrunc.f32 v18;
	v13 =	vcvt.f32.s32 v11  }
0x2ee: {  	vm0 =	vlt.f32 v1, v11;
	v1 =	vmax.f32 v4, $-1.700000000e+01;
	v4 =	vmul.f32 $4.000000000e+00, v7;
	v7 =	vld [tilespmem:s3+$0x30]  }
0x2ef: {  	v26 =	vtrunc.f32 v19;
	v28 =	vtrunc.f32 v21;
	v11 =	vsel vm0, $0x10, v0  }
0x2f0: {  	vm10 =	vlt.f32 v8, v24;
	vm12 =	vlt.f32 v18, v25;
	v16 =	vadd.s32 v13, v11;
	v11 =	vld [tilespmem:s3+$0x50]  }
0x2f1: {  	vm13 =	vlt.f32 v19, v26;
	v8 =	vcvt.f32.s32 v25;
	vm1 =	vlt.f32 v21, v28;
	v13 =	vld [tilespmem:s3+$0x60]  }
0x2f2: {  	v1 =	vmin.f32 v1, $1.600000000e+01;
	v19 =	vsel vm10, $0x10, v0;
	v4 =	vmax.f32 v4, $-1.700000000e+01  }
0x2f3: {  	v12 =	vtrunc.f32 v1;
	v4 =	vmin.f32 v4, $1.600000000e+01;
	v7 =	vmul.f32 $4.000000000e+00, v7  }
0x2f4: {  	s6 =	simm.s32 $0xE100;
	vm6 =	vlt.f32 v1, v12;
	v1 =	vtrunc.f32 v17;
	v14 =	vcvt.f32.s32 v12  }
0x2f5: {  	[tilespmem:s6+$0x70] =	vst v16;
	v16 =	vsel vm13, $0x10, v0;
	v7 =	vmax.f32 v7, $-1.700000000e+01;
	v11 =	vmul.f32 $4.000000000e+00, v11  }
0x2f6: {  	v13 =	vmul.f32 $4.000000000e+00, v13;
	v20 =	vmin.f32 v7, $1.600000000e+01;
	v7 =	vmin.f32 v10, $1.600000000e+01  }
0x2f7: {  	vm11 =	vlt.f32 v17, v1;
	v11 =	vmax.f32 v11, $-1.700000000e+01;
	v10 =	vtrunc.f32 v7  }
0x2f8: {  	v9 =	vmax.f32 v13, $-1.700000000e+01;
	v13 =	vtrunc.f32 v6;
	v27 =	vtrunc.f32 v20  }
0x2f9: {  	v22 =	vmin.f32 v11, $1.600000000e+01;
	v11 =	vtrunc.f32 v2;
	v23 =	vmin.f32 v9, $1.600000000e+01  }
0x2fa: {  	vm2 =	vlt.f32 v7, v10;
	v7 =	vtrunc.f32 v3;
	vm7 =	vlt.f32 v6, v13  }
0x2fb: {  	v9 =	vcvt.f32.s32 v10;
	v6 =	vcvt.f32.s32 v26;
	vm4 =	vlt.f32 v2, v11  }
0x2fc: {  	v2 =	vtrunc.f32 v5;
	vm5 =	vlt.f32 v3, v7;
	v3 =	vtrunc.f32 v4  }
0x2fd: {  	v17 =	vsel vm12, $0x10, v0;
	v29 =	vtrunc.f32 v22;
	v30 =	vtrunc.f32 v23  }
0x2fe: {  	v18 =	vsel vm11, $0x10, v0;
	v15 =	vcvt.f32.s32 v11;
	v10 =	vcvt.f32.s32 v7  }
0x2ff: {  	vm0 =	vlt.f32 v20, v27;
	v11 =	vcvt.f32.s32 v13;
	v13 =	vcvt.f32.s32 v24  }
0x300: {  	v25 =	vsel vm2, $0x10, v0;
	vm8 =	vlt.f32 v5, v2;
	v12 =	vcvt.f32.s32 v2  }
0x301: {  	vm9 =	vlt.f32 v4, v3;
	v7 =	vcvt.f32.s32 v3;
	v5 =	vcvt.f32.s32 v1  }
0x302: {  	v4 =	vcvt.f32.s32 v27;
	v3 =	vcvt.f32.s32 v28;
	vm3 =	vlt.f32 v22, v29  }
0x303: {  	v1 =	vcvt.f32.s32 v29;
	vm2 =	vlt.f32 v23, v30;
	v2 =	vcvt.f32.s32 v30  }
0x304: {  	s19 =	simm.s32 $0x0;
	s5 =	simm.s32 $0xE180;
	v26 =	vsel vm4, $0x10, v0;
	v24 =	vsel vm5, $0x10, v0;
	v23 =	vsel vm6, $0x10, v0  }
0x305: {  	s21 =	simm.s32 $0x6180;
	s20 =	simm.s32 $0x6300;
	s3 =	simm.s32 $0xE100;
	v22 =	vsel vm7, $0x10, v0;
	v21 =	vsel vm8, $0x10, v0;
	v20 =	vsel vm9, $0x10, v0  }
.LBB2_27:
0x306: {  	v27 =	vld [tilespmem:s20+$0x70];
	s19 =	sadd.s32 $0x100, s19;
	v28 =	vsel vm0, $0x10, v0;
	v29 =	vsel vm1, $0x10, v0;
	v30 =	vsel vm3, $0x10, v0  }
0x307: {  	v9 =	vadd.s32 v9, v25;
	v15 =	vadd.s32 v15, v26;
	v25 =	vsel vm2, $0x10, v0;
	v31 =	vld [tilespmem:s20+$0xFFFFFF10];
	p0 =	slt.u32 s19, $0xF00  }
0x308: {  	v12 =	vadd.s32 v12, v21;
	v26 =	vld [tilespmem:s20+$0xFFFFFF20];
	[tilespmem:s6+$0xFFFFFF00] =	vst v9;
	v9 =	vadd.s32 v10, v24;
	v10 =	vadd.s32 v14, v23  }
0x309: {  	v11 =	vadd.s32 v11, v22;
	v7 =	vadd.s32 v7, v20;
	v13 =	vadd.s32 v13, v19;
	v14 =	vld [tilespmem:s20+$0xFFFFFF30];
	[tilespmem:s6+$0xFFFFFF10] =	vst v15  }
0x30a: {  	v5 =	vadd.s32 v5, v18;
	v8 =	vadd.s32 v8, v17;
	v6 =	vadd.s32 v6, v16;
	v15 =	vld [tilespmem:s20+$0xFFFFFF40];
	[tilespmem:s6+$0xFFFFFF20] =	vst v9  }
0x30b: {  	v4 =	vadd.s32 v4, v28;
	v3 =	vadd.s32 v3, v29;
	v9 =	vld [tilespmem:s20+$0xFFFFFF50];
	v16 =	vmul.f32 $4.000000000e+00, v27;
	[tilespmem:s6+$0xFFFFFF30] =	vst v10  }
0x30c: {  	v1 =	vadd.s32 v1, v30;
	v2 =	vadd.s32 v2, v25;
	v10 =	vmul.f32 $4.000000000e+00, v31;
	v17 =	vld [tilespmem:s20+$0xFFFFFF60];
	[tilespmem:s6+$0xFFFFFF40] =	vst v12  }
0x30d: {  	v12 =	vmul.f32 $4.000000000e+00, v26;
	v18 =	vld [tilespmem:s20+$0xFFFFFF70];
	v16 =	vmax.f32 v16, $-1.700000000e+01;
	[tilespmem:s6+$0xFFFFFF50] =	vst v11  }
0x30e: {  	v10 =	vmax.f32 v10, $-1.700000000e+01;
	v11 =	vmul.f32 $4.000000000e+00, v14;
	v14 =	vld [tilespmem:s20+$0x0];
	v16 =	vmin.f32 v16, $1.600000000e+01;
	[tilespmem:s6+$0xFFFFFF60] =	vst v7  }
0x30f: {  	v7 =	vmax.f32 v12, $-1.700000000e+01;
	v12 =	vmul.f32 $4.000000000e+00, v15;
	v15 =	vld [tilespmem:s20+$0x10];
	v19 =	vtrunc.f32 v16;
	[tilespmem:s6+$0xFFFFFF70] =	vst v13  }
0x310: {  	v9 =	vmul.f32 $4.000000000e+00, v9;
	v13 =	vld [tilespmem:s20+$0x20];
	v20 =	vcvt.f32.s32 v19;
	vm0 =	vlt.f32 v16, v19;
	[tilespmem:s6+$0x0] =	vst v5  }
0x311: {  	v5 =	vmax.f32 v11, $-1.700000000e+01;
	v11 =	vmul.f32 $4.000000000e+00, v17;
	v16 =	vld [tilespmem:s20+$0x30];
	v17 =	vsel vm0, $0x10, v0;
	[tilespmem:s6+$0x10] =	vst v8  }
0x312: {  	v8 =	vmax.f32 v12, $-1.700000000e+01;
	s6 =	sadd.s32 $0x200, s6;
	v12 =	vmul.f32 $4.000000000e+00, v18;
	v18 =	vld [tilespmem:s20+$0x40];
	v17 =	vadd.s32 v20, v17;
	[tilespmem:s3+$0x20] =	vst v6  }
0x313: {  	v6 =	vmax.f32 v9, $-1.700000000e+01;
	v9 =	vmax.f32 v11, $-1.700000000e+01;
	v11 =	vmul.f32 $4.000000000e+00, v14;
	v14 =	vld [tilespmem:s20+$0x50];
	[tilespmem:s6+$0x70] =	vst v17  }
0x314: {  	v10 =	vmin.f32 v10, $1.600000000e+01;
	v12 =	vmax.f32 v12, $-1.700000000e+01;
	v15 =	vmul.f32 $4.000000000e+00, v15;
	v17 =	vld [tilespmem:s20+$0x60];
	[tilespmem:s3+$0x30] =	vst v4  }
0x315: {  	v7 =	vmin.f32 v7, $1.600000000e+01;
	v4 =	vld [tilespmem:s20+$0xFFFFFF00];
	v11 =	vmax.f32 v11, $-1.700000000e+01;
	v13 =	vmul.f32 $4.000000000e+00, v13;
	[tilespmem:s3+$0x40] =	vst v3  }
0x316: {  	v3 =	vmin.f32 v5, $1.600000000e+01;
	v5 =	vmax.f32 v15, $-1.700000000e+01;
	v15 =	vmul.f32 $4.000000000e+00, v16;
	[tilespmem:s3+$0x50] =	vst v1  }
0x317: {  	v1 =	vmin.f32 v8, $1.600000000e+01;
	v8 =	vmax.f32 v13, $-1.700000000e+01;
	v13 =	vmul.f32 $4.000000000e+00, v18;
	[tilespmem:s3+$0x60] =	vst v2;
	s3 =	smov.u32 s6  }
0x318: {  	v2 =	vmin.f32 v6, $1.600000000e+01;
	v6 =	vmax.f32 v15, $-1.700000000e+01;
	v14 =	vmul.f32 $4.000000000e+00, v14  }
0x319: {  	v15 =	vmin.f32 v9, $1.600000000e+01;
	v9 =	vmax.f32 v13, $-1.700000000e+01;
	v13 =	vmul.f32 $4.000000000e+00, v17  }
0x31a: {  	v12 =	vmin.f32 v12, $1.600000000e+01;
	v4 =	vmul.f32 $4.000000000e+00, v4;
	v14 =	vmax.f32 v14, $-1.700000000e+01  }
0x31b: {  	v11 =	vmin.f32 v11, $1.600000000e+01;
	v5 =	vmin.f32 v5, $1.600000000e+01;
	v13 =	vmax.f32 v13, $-1.700000000e+01  }
0x31c: {  	v8 =	vmin.f32 v8, $1.600000000e+01;
	v16 =	vmin.f32 v6, $1.600000000e+01;
	v4 =	vmax.f32 v4, $-1.700000000e+01  }
0x31d: {  	v17 =	vmin.f32 v9, $1.600000000e+01;
	v18 =	vmin.f32 v14, $1.600000000e+01;
	v4 =	vmin.f32 v4, $1.600000000e+01  }
0x31e: {  	v14 =	vtrunc.f32 v10;
	v19 =	vmin.f32 v13, $1.600000000e+01;
	v6 =	vtrunc.f32 v4  }
0x31f: {  	v13 =	vtrunc.f32 v3;
	vm2 =	vlt.f32 v4, v6;
	v4 =	vtrunc.f32 v7  }
0x320: {  	v20 =	vtrunc.f32 v1;
	v21 =	vtrunc.f32 v2;
	vm4 =	vlt.f32 v10, v14  }
0x321: {  	v22 =	vtrunc.f32 v12;
	vm5 =	vlt.f32 v7, v4;
	v7 =	vtrunc.f32 v15  }
0x322: {  	v23 =	vtrunc.f32 v5;
	vm6 =	vlt.f32 v3, v13;
	v3 =	vtrunc.f32 v11  }
0x323: {  	vm7 =	vlt.f32 v1, v20;
	v1 =	vtrunc.f32 v8;
	v24 =	vtrunc.f32 v16  }
0x324: {  	vm8 =	vlt.f32 v2, v21;
	v2 =	vtrunc.f32 v17;
	v25 =	vtrunc.f32 v18  }
0x325: {  	v27 =	vtrunc.f32 v19;
	v9 =	vcvt.f32.s32 v6;
	vm9 =	vlt.f32 v15, v7  }
0x326: {  	vm10 =	vlt.f32 v12, v22;
	v10 =	vcvt.f32.s32 v4;
	v15 =	vcvt.f32.s32 v14  }
0x327: {  	v12 =	vcvt.f32.s32 v20;
	vm11 =	vlt.f32 v11, v3;
	v14 =	vcvt.f32.s32 v13  }
0x328: {  	vm12 =	vlt.f32 v5, v23;
	v11 =	vcvt.f32.s32 v21;
	v7 =	vcvt.f32.s32 v7  }
0x329: {  	vm13 =	vlt.f32 v8, v1;
	v5 =	vcvt.f32.s32 v3;
	v13 =	vcvt.f32.s32 v22  }
0x32a: {  	v8 =	vcvt.f32.s32 v23;
	vm0 =	vlt.f32 v16, v24;
	v6 =	vcvt.f32.s32 v1  }
0x32b: {  	vm1 =	vlt.f32 v17, v2;
	v3 =	vcvt.f32.s32 v2;
	v4 =	vcvt.f32.s32 v24  }
.Ltmp15:
0x32c: {  	vm3 =	vlt.f32 v18, v25;
	v2 =	vcvt.f32.s32 v27;
	v1 =	vcvt.f32.s32 v25;
	(pc) =	sbr.rel @p0 .LBB2_27-.Ltmp15, $4  }
0x32d: {  	v26 =	vsel vm4, $0x10, v0;
	v25 =	vsel vm2, $0x10, v0;
	vm2 =	vlt.f32 v19, v27  }
0x32e: {  	v23 =	vsel vm6, $0x10, v0;
	v21 =	vsel vm7, $0x10, v0;
	v24 =	vsel vm5, $0x10, v0  }
0x32f: {  	v19 =	vsel vm10, $0x10, v0;
	v22 =	vsel vm8, $0x10, v0;
	v20 =	vsel vm9, $0x10, v0  }
0x330: {  	s20 =	sadd.s32 $0x200, s20;
	v16 =	vsel vm13, $0x10, v0;
	v17 =	vsel vm12, $0x10, v0;
	v18 =	vsel vm11, $0x10, v0  }
0x331: {  	v9 =	vadd.s32 v9, v25  }
0x332: {  	v15 =	vadd.s32 v15, v26;
	[tilespmem:s6+$0xFFFFFF00] =	vst v9  }
0x333: {  	v7 =	vadd.s32 v7, v20;
	[tilespmem:s6+$0xFFFFFF10] =	vst v15  }
0x334: {  	v5 =	vadd.s32 v5, v18;
	[tilespmem:s6+$0xFFFFFF60] =	vst v7  }
0x335: {  	v6 =	vadd.s32 v6, v16;
	[tilespmem:s6+$0x0] =	vst v5  }
0x336: {  	v9 =	vadd.s32 v10, v24;
	[tilespmem:s3+$0x20] =	vst v6  }
0x337: {  	v10 =	vadd.s32 v14, v23;
	[tilespmem:s6+$0xFFFFFF20] =	vst v9  }
0x338: {  	v7 =	vadd.s32 v8, v17;
	[tilespmem:s6+$0xFFFFFF30] =	vst v10  }
0x339: {  	v9 =	vadd.s32 v12, v21;
	[tilespmem:s6+$0x10] =	vst v7  }
0x33a: {  	v5 =	vsel vm0, $0x10, v0;
	v10 =	vadd.s32 v11, v22;
	[tilespmem:s6+$0xFFFFFF40] =	vst v9  }
0x33b: {  	v4 =	vadd.s32 v4, v5;
	[tilespmem:s6+$0xFFFFFF50] =	vst v10  }
0x33c: {  	v7 =	vsel vm1, $0x10, v0;
	v9 =	vadd.s32 v13, v19;
	[tilespmem:s3+$0x30] =	vst v4  }
0x33d: {  	v5 =	vsel vm3, $0x10, v0;
	v3 =	vadd.s32 v3, v7;
	[tilespmem:s6+$0xFFFFFF70] =	vst v9  }
0x33e: {  	v4 =	vsel vm2, $0x10, v0;
	v1 =	vadd.s32 v1, v5;
	[tilespmem:s3+$0x40] =	vst v3  }
0x33f: {  	v2 =	vadd.s32 v2, v4;
	[tilespmem:s3+$0x50] =	vst v1  }
0x340: {  	[tilespmem:s3+$0x60] =	vst v2  }
0x341: {  	v1 =	vld [tilespmem:s21+$0x70]  }
0x342: {  	v2 =	vld [tilespmem:s21+$0xFFFFFF10]  }
0x343: {  	v3 =	vld [tilespmem:s21+$0xFFFFFF20]  }
0x344: {  	v4 =	vld [tilespmem:s21+$0xFFFFFF30]  }
0x345: {  	v5 =	vld [tilespmem:s21+$0xFFFFFF40]  }
0x346: {  	v6 =	vld [tilespmem:s21+$0xFFFFFF50]  }
0x347: {  	v8 =	vld [tilespmem:s21+$0xFFFFFF70]  }
0x348: {  	v9 =	vld [tilespmem:s21+$0x0]  }
0x349: {  	v10 =	vld [tilespmem:s21+$0x10]  }
0x34a: {  	v12 =	vld [tilespmem:s21+$0x20]  }
0x34b: {  	v14 =	vld [tilespmem:s21+$0x40]  }
0x34c: {  	v15 =	vld [tilespmem:s21+$0xFFFFFF00];
	v1 =	vmul.f32 $4.000000000e+00, v1;
	v2 =	vmul.f32 $4.000000000e+00, v2  }
0x34d: {  	v3 =	vmul.f32 $4.000000000e+00, v3;
	v4 =	vmul.f32 $4.000000000e+00, v4  }
0x34e: {  	v5 =	vmul.f32 $4.000000000e+00, v5;
	v6 =	vmul.f32 $4.000000000e+00, v6  }
0x34f: {  	v8 =	vmul.f32 $4.000000000e+00, v8;
	v9 =	vmul.f32 $4.000000000e+00, v9  }
0x350: {  	v10 =	vmul.f32 $4.000000000e+00, v10;
	v12 =	vmul.f32 $4.000000000e+00, v12  }
0x351: {  	v14 =	vmul.f32 $4.000000000e+00, v14;
	v15 =	vmul.f32 $4.000000000e+00, v15;
	v1 =	vmax.f32 v1, $-1.700000000e+01  }
0x352: {  	v2 =	vmax.f32 v2, $-1.700000000e+01;
	v3 =	vmax.f32 v3, $-1.700000000e+01;
	v5 =	vmax.f32 v5, $-1.700000000e+01  }
0x353: {  	v6 =	vmax.f32 v6, $-1.700000000e+01;
	v8 =	vmax.f32 v8, $-1.700000000e+01;
	v9 =	vmax.f32 v9, $-1.700000000e+01  }
0x354: {  	v10 =	vmax.f32 v10, $-1.700000000e+01;
	v12 =	vmax.f32 v12, $-1.700000000e+01;
	v14 =	vmax.f32 v14, $-1.700000000e+01  }
0x355: {  	v7 =	vld [tilespmem:s21+$0xFFFFFF60];
	v1 =	vmin.f32 v1, $1.600000000e+01;
	v2 =	vmin.f32 v2, $1.600000000e+01;
	v3 =	vmin.f32 v3, $1.600000000e+01  }
0x356: {  	v5 =	vmin.f32 v5, $1.600000000e+01;
	v6 =	vmin.f32 v6, $1.600000000e+01;
	v8 =	vmin.f32 v8, $1.600000000e+01  }
0x357: {  	v17 =	vmin.f32 v9, $1.600000000e+01;
	v18 =	vmin.f32 v10, $1.600000000e+01;
	v10 =	vmax.f32 v15, $-1.700000000e+01  }
0x358: {  	v19 =	vmin.f32 v12, $1.600000000e+01;
	v11 =	vtrunc.f32 v1;
	v24 =	vtrunc.f32 v8  }
0x359: {  	v21 =	vmin.f32 v14, $1.600000000e+01;
	v25 =	vtrunc.f32 v18;
	v13 =	vcvt.f32.s32 v11  }
0x35a: {  	vm0 =	vlt.f32 v1, v11;
	v1 =	vmax.f32 v4, $-1.700000000e+01;
	v4 =	vmul.f32 $4.000000000e+00, v7;
	v7 =	vld [tilespmem:s21+$0x30]  }
0x35b: {  	v26 =	vtrunc.f32 v19;
	v28 =	vtrunc.f32 v21;
	v11 =	vsel vm0, $0x10, v0  }
0x35c: {  	vm10 =	vlt.f32 v8, v24;
	vm12 =	vlt.f32 v18, v25;
	v16 =	vadd.s32 v13, v11;
	v11 =	vld [tilespmem:s21+$0x50]  }
0x35d: {  	vm13 =	vlt.f32 v19, v26;
	v8 =	vcvt.f32.s32 v25;
	vm1 =	vlt.f32 v21, v28;
	v13 =	vld [tilespmem:s21+$0x60]  }
0x35e: {  	v1 =	vmin.f32 v1, $1.600000000e+01;
	v19 =	vsel vm10, $0x10, v0;
	v4 =	vmax.f32 v4, $-1.700000000e+01  }
0x35f: {  	v12 =	vtrunc.f32 v1;
	v4 =	vmin.f32 v4, $1.600000000e+01;
	v7 =	vmul.f32 $4.000000000e+00, v7  }
0x360: {  	vm6 =	vlt.f32 v1, v12;
	v1 =	vtrunc.f32 v17;
	v14 =	vcvt.f32.s32 v12  }
0x361: {  	[tilespmem:s5+$0x70] =	vst v16;
	v16 =	vsel vm13, $0x10, v0;
	v7 =	vmax.f32 v7, $-1.700000000e+01;
	v11 =	vmul.f32 $4.000000000e+00, v11  }
0x362: {  	v13 =	vmul.f32 $4.000000000e+00, v13;
	v20 =	vmin.f32 v7, $1.600000000e+01;
	v7 =	vmin.f32 v10, $1.600000000e+01  }
0x363: {  	vm11 =	vlt.f32 v17, v1;
	v11 =	vmax.f32 v11, $-1.700000000e+01;
	v10 =	vtrunc.f32 v7  }
0x364: {  	v9 =	vmax.f32 v13, $-1.700000000e+01;
	v13 =	vtrunc.f32 v6;
	v27 =	vtrunc.f32 v20  }
0x365: {  	v22 =	vmin.f32 v11, $1.600000000e+01;
	v11 =	vtrunc.f32 v2;
	v23 =	vmin.f32 v9, $1.600000000e+01  }
0x366: {  	vm2 =	vlt.f32 v7, v10;
	v7 =	vtrunc.f32 v3;
	vm8 =	vlt.f32 v6, v13  }
0x367: {  	v9 =	vcvt.f32.s32 v10;
	v6 =	vcvt.f32.s32 v26;
	vm4 =	vlt.f32 v2, v11  }
0x368: {  	v2 =	vtrunc.f32 v5;
	vm5 =	vlt.f32 v3, v7;
	v3 =	vtrunc.f32 v4  }
0x369: {  	v17 =	vsel vm12, $0x10, v0;
	v29 =	vtrunc.f32 v22;
	v30 =	vtrunc.f32 v23  }
0x36a: {  	v18 =	vsel vm11, $0x10, v0;
	v15 =	vcvt.f32.s32 v11;
	v10 =	vcvt.f32.s32 v7  }
0x36b: {  	vm0 =	vlt.f32 v20, v27;
	v11 =	vcvt.f32.s32 v13;
	v13 =	vcvt.f32.s32 v24  }
0x36c: {  	v25 =	vsel vm2, $0x10, v0;
	v21 =	vsel vm8, $0x10, v0;
	v12 =	vcvt.f32.s32 v2  }
0x36d: {  	vm7 =	vlt.f32 v5, v2;
	v7 =	vcvt.f32.s32 v3;
	v5 =	vcvt.f32.s32 v1  }
0x36e: {  	vm9 =	vlt.f32 v4, v3;
	v4 =	vcvt.f32.s32 v27;
	v3 =	vcvt.f32.s32 v28  }
0x36f: {  	vm3 =	vlt.f32 v22, v29;
	v1 =	vcvt.f32.s32 v29;
	vm2 =	vlt.f32 v23, v30  }
0x370: {  	v2 =	vcvt.f32.s32 v30;
	v26 =	vsel vm4, $0x10, v0;
	v24 =	vsel vm5, $0x10, v0  }
0x371: {  	s19 =	simm.s32 $0x6380;
	s6 =	simm.s32 $0x0;
	s3 =	simm.s32 $0xE180;
	v23 =	vsel vm6, $0x10, v0;
	v22 =	vsel vm7, $0x10, v0;
	v20 =	vsel vm9, $0x10, v0  }
.LBB2_29:
0x372: {  	v27 =	vld [tilespmem:s19+$0x70];
	s6 =	sadd.s32 $0x100, s6;
	v28 =	vsel vm0, $0x10, v0;
	v29 =	vsel vm1, $0x10, v0;
	v30 =	vsel vm3, $0x10, v0  }
0x373: {  	v9 =	vadd.s32 v9, v25;
	v15 =	vadd.s32 v15, v26;
	v25 =	vsel vm2, $0x10, v0;
	v31 =	vld [tilespmem:s19+$0xFFFFFF10];
	p0 =	slt.u32 s6, $0xF00  }
0x374: {  	v12 =	vadd.s32 v12, v22;
	v26 =	vld [tilespmem:s19+$0xFFFFFF20];
	[tilespmem:s5+$0xFFFFFF00] =	vst v9;
	v9 =	vadd.s32 v10, v24;
	v10 =	vadd.s32 v14, v23  }
0x375: {  	v11 =	vadd.s32 v11, v21;
	v7 =	vadd.s32 v7, v20;
	v13 =	vadd.s32 v13, v19;
	v14 =	vld [tilespmem:s19+$0xFFFFFF30];
	[tilespmem:s5+$0xFFFFFF10] =	vst v15  }
0x376: {  	v5 =	vadd.s32 v5, v18;
	v8 =	vadd.s32 v8, v17;
	v6 =	vadd.s32 v6, v16;
	v15 =	vld [tilespmem:s19+$0xFFFFFF40];
	[tilespmem:s5+$0xFFFFFF20] =	vst v9  }
0x377: {  	v4 =	vadd.s32 v4, v28;
	v3 =	vadd.s32 v3, v29;
	v9 =	vld [tilespmem:s19+$0xFFFFFF50];
	v16 =	vmul.f32 $4.000000000e+00, v27;
	[tilespmem:s5+$0xFFFFFF30] =	vst v10  }
0x378: {  	v1 =	vadd.s32 v1, v30;
	v2 =	vadd.s32 v2, v25;
	v10 =	vmul.f32 $4.000000000e+00, v31;
	v17 =	vld [tilespmem:s19+$0xFFFFFF60];
	[tilespmem:s5+$0xFFFFFF40] =	vst v12  }
0x379: {  	v12 =	vmul.f32 $4.000000000e+00, v26;
	v18 =	vld [tilespmem:s19+$0xFFFFFF70];
	v16 =	vmax.f32 v16, $-1.700000000e+01;
	[tilespmem:s5+$0xFFFFFF50] =	vst v11  }
0x37a: {  	v10 =	vmax.f32 v10, $-1.700000000e+01;
	v11 =	vmul.f32 $4.000000000e+00, v14;
	v14 =	vld [tilespmem:s19+$0x0];
	v16 =	vmin.f32 v16, $1.600000000e+01;
	[tilespmem:s5+$0xFFFFFF60] =	vst v7  }
0x37b: {  	v7 =	vmax.f32 v12, $-1.700000000e+01;
	v12 =	vmul.f32 $4.000000000e+00, v15;
	v15 =	vld [tilespmem:s19+$0x10];
	v19 =	vtrunc.f32 v16;
	[tilespmem:s5+$0xFFFFFF70] =	vst v13  }
0x37c: {  	v9 =	vmul.f32 $4.000000000e+00, v9;
	v13 =	vld [tilespmem:s19+$0x20];
	v20 =	vcvt.f32.s32 v19;
	vm0 =	vlt.f32 v16, v19;
	[tilespmem:s5+$0x0] =	vst v5  }
0x37d: {  	v5 =	vmax.f32 v11, $-1.700000000e+01;
	v11 =	vmul.f32 $4.000000000e+00, v17;
	v16 =	vld [tilespmem:s19+$0x30];
	v17 =	vsel vm0, $0x10, v0;
	[tilespmem:s5+$0x10] =	vst v8  }
0x37e: {  	v8 =	vmax.f32 v12, $-1.700000000e+01;
	s5 =	sadd.s32 $0x200, s5;
	v12 =	vmul.f32 $4.000000000e+00, v18;
	v18 =	vld [tilespmem:s19+$0x40];
	v17 =	vadd.s32 v20, v17;
	[tilespmem:s3+$0x20] =	vst v6  }
0x37f: {  	v6 =	vmax.f32 v9, $-1.700000000e+01;
	v9 =	vmax.f32 v11, $-1.700000000e+01;
	v11 =	vmul.f32 $4.000000000e+00, v14;
	v14 =	vld [tilespmem:s19+$0x50];
	[tilespmem:s5+$0x70] =	vst v17  }
0x380: {  	v10 =	vmin.f32 v10, $1.600000000e+01;
	v12 =	vmax.f32 v12, $-1.700000000e+01;
	v15 =	vmul.f32 $4.000000000e+00, v15;
	v17 =	vld [tilespmem:s19+$0x60];
	[tilespmem:s3+$0x30] =	vst v4  }
0x381: {  	v7 =	vmin.f32 v7, $1.600000000e+01;
	v4 =	vld [tilespmem:s19+$0xFFFFFF00];
	v11 =	vmax.f32 v11, $-1.700000000e+01;
	v13 =	vmul.f32 $4.000000000e+00, v13;
	[tilespmem:s3+$0x40] =	vst v3  }
0x382: {  	v3 =	vmin.f32 v5, $1.600000000e+01;
	v5 =	vmax.f32 v15, $-1.700000000e+01;
	v15 =	vmul.f32 $4.000000000e+00, v16;
	[tilespmem:s3+$0x50] =	vst v1  }
0x383: {  	v1 =	vmin.f32 v8, $1.600000000e+01;
	v8 =	vmax.f32 v13, $-1.700000000e+01;
	v13 =	vmul.f32 $4.000000000e+00, v18;
	[tilespmem:s3+$0x60] =	vst v2;
	s3 =	smov.u32 s5  }
0x384: {  	v2 =	vmin.f32 v6, $1.600000000e+01;
	v6 =	vmax.f32 v15, $-1.700000000e+01;
	v14 =	vmul.f32 $4.000000000e+00, v14  }
0x385: {  	v15 =	vmin.f32 v9, $1.600000000e+01;
	v9 =	vmax.f32 v13, $-1.700000000e+01;
	v13 =	vmul.f32 $4.000000000e+00, v17  }
0x386: {  	v12 =	vmin.f32 v12, $1.600000000e+01;
	v4 =	vmul.f32 $4.000000000e+00, v4;
	v14 =	vmax.f32 v14, $-1.700000000e+01  }
0x387: {  	v11 =	vmin.f32 v11, $1.600000000e+01;
	v5 =	vmin.f32 v5, $1.600000000e+01;
	v13 =	vmax.f32 v13, $-1.700000000e+01  }
0x388: {  	v8 =	vmin.f32 v8, $1.600000000e+01;
	v16 =	vmin.f32 v6, $1.600000000e+01;
	v4 =	vmax.f32 v4, $-1.700000000e+01  }
0x389: {  	v17 =	vmin.f32 v9, $1.600000000e+01;
	v18 =	vmin.f32 v14, $1.600000000e+01;
	v4 =	vmin.f32 v4, $1.600000000e+01  }
0x38a: {  	v14 =	vtrunc.f32 v10;
	v19 =	vmin.f32 v13, $1.600000000e+01;
	v6 =	vtrunc.f32 v4  }
0x38b: {  	v13 =	vtrunc.f32 v3;
	vm2 =	vlt.f32 v4, v6;
	v4 =	vtrunc.f32 v7  }
0x38c: {  	v20 =	vtrunc.f32 v1;
	v21 =	vtrunc.f32 v2;
	vm4 =	vlt.f32 v10, v14  }
0x38d: {  	v22 =	vtrunc.f32 v12;
	vm5 =	vlt.f32 v7, v4;
	v7 =	vtrunc.f32 v15  }
0x38e: {  	v23 =	vtrunc.f32 v5;
	vm6 =	vlt.f32 v3, v13;
	v3 =	vtrunc.f32 v11  }
0x38f: {  	vm7 =	vlt.f32 v1, v20;
	v1 =	vtrunc.f32 v8;
	v24 =	vtrunc.f32 v16  }
0x390: {  	vm8 =	vlt.f32 v2, v21;
	v2 =	vtrunc.f32 v17;
	v25 =	vtrunc.f32 v18  }
0x391: {  	v27 =	vtrunc.f32 v19;
	v9 =	vcvt.f32.s32 v6;
	vm9 =	vlt.f32 v15, v7  }
0x392: {  	vm10 =	vlt.f32 v12, v22;
	v10 =	vcvt.f32.s32 v4;
	v15 =	vcvt.f32.s32 v14  }
0x393: {  	v12 =	vcvt.f32.s32 v20;
	vm11 =	vlt.f32 v11, v3;
	v14 =	vcvt.f32.s32 v13  }
0x394: {  	vm12 =	vlt.f32 v5, v23;
	v11 =	vcvt.f32.s32 v21;
	v7 =	vcvt.f32.s32 v7  }
0x395: {  	vm13 =	vlt.f32 v8, v1;
	v5 =	vcvt.f32.s32 v3;
	v13 =	vcvt.f32.s32 v22  }
0x396: {  	v8 =	vcvt.f32.s32 v23;
	vm0 =	vlt.f32 v16, v24;
	v6 =	vcvt.f32.s32 v1  }
0x397: {  	vm1 =	vlt.f32 v17, v2;
	v3 =	vcvt.f32.s32 v2;
	v4 =	vcvt.f32.s32 v24  }
.Ltmp16:
0x398: {  	vm3 =	vlt.f32 v18, v25;
	v2 =	vcvt.f32.s32 v27;
	v1 =	vcvt.f32.s32 v25;
	(pc) =	sbr.rel @p0 .LBB2_29-.Ltmp16, $4  }
0x399: {  	v26 =	vsel vm4, $0x10, v0;
	v25 =	vsel vm2, $0x10, v0;
	vm2 =	vlt.f32 v19, v27  }
0x39a: {  	v23 =	vsel vm6, $0x10, v0;
	v24 =	vsel vm5, $0x10, v0;
	v22 =	vsel vm7, $0x10, v0  }
0x39b: {  	v21 =	vsel vm8, $0x10, v0;
	v19 =	vsel vm10, $0x10, v0;
	v20 =	vsel vm9, $0x10, v0  }
0x39c: {  	s19 =	sadd.s32 $0x200, s19;
	v16 =	vsel vm13, $0x10, v0;
	v17 =	vsel vm12, $0x10, v0;
	v18 =	vsel vm11, $0x10, v0  }
0x39d: {  	v9 =	vadd.s32 v9, v25  }
0x39e: {  	v15 =	vadd.s32 v15, v26;
	[tilespmem:s5+$0xFFFFFF00] =	vst v9  }
0x39f: {  	v54 =	vadd.s32 v10, v24;
	[tilespmem:s5+$0xFFFFFF10] =	vst v15  }
0x3a0: {  	v55 =	vadd.s32 v14, v23;
	[tilespmem:s5+$0xFFFFFF20] =	vst v54  }
0x3a1: {  	v56 =	vadd.s32 v12, v22;
	[tilespmem:s5+$0xFFFFFF30] =	vst v55  }
0x3a2: {  	v57 =	vadd.s32 v11, v21;
	[tilespmem:s5+$0xFFFFFF40] =	vst v56  }
0x3a3: {  	v7 =	vadd.s32 v7, v20;
	[tilespmem:s5+$0xFFFFFF50] =	vst v57  }
0x3a4: {  	v58 =	vadd.s32 v13, v19;
	[tilespmem:s5+$0xFFFFFF60] =	vst v7  }
0x3a5: {  	v5 =	vadd.s32 v5, v18;
	[tilespmem:s5+$0xFFFFFF70] =	vst v58  }
0x3a6: {  	v59 =	vadd.s32 v8, v17;
	[tilespmem:s5+$0x0] =	vst v5  }
0x3a7: {  	v60 =	vsel vm0, $0x10, v0;
	v6 =	vadd.s32 v6, v16;
	[tilespmem:s5+$0x10] =	vst v59  }
0x3a8: {  	v61 =	vsel vm1, $0x10, v0;
	v4 =	vadd.s32 v4, v60;
	[tilespmem:s3+$0x20] =	vst v6  }
0x3a9: {  	v62 =	vsel vm3, $0x10, v0;
	v3 =	vadd.s32 v3, v61;
	[tilespmem:s3+$0x30] =	vst v4  }
0x3aa: {  	v63 =	vsel vm2, $0x10, v0;
	v1 =	vadd.s32 v1, v62;
	[tilespmem:s3+$0x40] =	vst v3  }
0x3ab: {  	p0 =	seq.s32 s7, $0xF;
	v2 =	vadd.s32 v2, v63;
	[tilespmem:s3+$0x50] =	vst v1  }
0x3ac: {  	s21 =	sadd.s32 s8, s14;
	s5 =	simm.s32 @!p0 $0x100;
	s6 =	simm.s32 @!p0 $0x400;
	[tilespmem:s3+$0x60] =	vst v2  }
0x3ad: {  	[hbm4b:s21+s17] =	stream.strided.scatter [tilespmem:s1], [sflag:$0x8], $0x2000, s18, s17, $0x38;
	[tilespmem:$0x10000] =	vst v63  }
0x3ae: {  	s7 =	simm.s32 @!p0 $0x6000;
	p1 =	sne.s32 @!p0 s16, $0x10;
	s3 =	sadd.s32 @!p0 s8, s15  }
0x3af: {  	[tilespmem:s7], [sflag:$0x4] =	stream.strided.gather @!p0 [hbm4b:s3+s5], $0x2000, s6, s5, $0x38;
	[tilespmem:$0x10000] =	vst v63  }
0x3b0: {  	p0 =	por p0, !p1  }
.Ltmp17:
0x3b1: {  	_ = 	snop;
	(pc) =	sbr.rel @!p0 .LBB2_2-.Ltmp17, $2  }
0x3b2: {  	_ =	sdelay $0x2  }
0x3b3: {  	s7 =	smov.u32 s16  }
0x3b4: {  	s3 =	simm.s32 $0x5  }
0x3b5: {  	_ =	swait.ge [sflag:s3], $0x2000  }
0x3b6: {  	[sflag:s3] =	ssyncset.done $0x0  }
0x3b7: {  	[sflag:s3] =	ssyncadd.s32 $0xFFFFE000  }
0x3b8: {  	_ =	swait.ge [sflag:s25], $0x2000  }
0x3b9: {  	[sflag:s25] =	ssyncset.done $0x0  }
0x3ba: {  	[sflag:s25] =	ssyncadd.s32 $0xFFFFE000  }
0x3bb: {  	_ =	swait.ge [sflag:s29], $0x2000  }
0x3bc: {  	[sflag:s29] =	ssyncset.done $0x0  }
0x3bd: {  	[sflag:s29] =	ssyncadd.s32 $0xFFFFE000  }
0x3be: {  	_ =	swait.ge [sflag:s0], $0x2000  }
0x3bf: {  	s5 =	rddreg [dreg:$0x8]  }
0x3c0: {  	s21 =	rddreg [dreg:$0x7];
	s5 =	sadd.s32 $0x1, s5  }
0x3c1: {  	p0 =	sne.s32 s5, s21  }
.Ltmp18:
0x3c2: {  	_ = 	snop;
	(pc) =	sbr.rel @p0 .LBB2_1-.Ltmp18, $3  }
0x3c3: {  	_ =	sdelay $0x1  }
0x3c4: {  	[sflag:s0] =	ssyncset.done $0x0  }
0x3c5: {  	[sflag:s0] =	ssyncadd.s32 $0xFFFFE000  }
0x3c6: {  	_ =	sfence.sel $0x180000  }
0x3c7: {  	[bflag:$0x0] =	sbarrier.arrive $0xFFFF  }
0x3c8: {  	_ =	strace $0x90000047  }
0x3c9: {  	s0 =	stileid.u32;
	[bflag:$0x2] =	sbarrier.arrive $0xFFFF  }
0x3ca: {  	p0 =	sne.s32 s0, $0x0;
	s0 =	rddreg [dreg:$0x2]  }
0x3cb: {  	s0 =	sadd.s32 @!p0 $0x100000, s0  }
0x3cc: {  	[sflag:s0] =	ssyncadd.tile.s32 @!p0 $0x1;
	_ =	shalt  }
.Lfunc_end2:
_tile_overlayer_lowered:
.L_overlay_start_2:
0x3cd: {  	(tag) =	ssettag $0x2  }
0x3ce: {  	s0 =	rddreg [dreg:$0x0];
	s2 =	stileid.u32  }
0x3cf: {  	s1 =	rddreg [dreg:$0x1];
	p0 =	sne.s32 s2, $0x0  }
0x3d0: {  	s3 =	rddreg [dreg:$0x2];
	[bflag:$0x3] =	sbarrier.arrive $0xFFFF;
	s2 =	simm.s32 @!p0 $0x1C09  }
0x3d1: {  	[timem:s3], [sflag:s2] =	dma.local @!p0 [hbm:s0], s1  }
0x3d2: {  	s0 =	simm.s32 @!p0 $0x9  }
0x3d3: {  	_ =	swait.ge @!p0 [sflag:s0], s1  }
0x3d4: {  	s1 =	ssub.s32 @!p0 $0x0, s1;
	[sflag:s0] =	ssyncset.done @!p0 $0x0  }
0x3d5: {  	[sflag:s0] =	ssyncadd.s32 @!p0 s1  }
0x3d6: {  	[bflag:$0x3] =	sbarrier.arrive $0xFFFF  }
0x3d7: {  	_ =	shalt  }

</sc_bundles>
